<compile_context>
chip_gen: v7x
topology: tpu7x:2x2x1
jax: 0.10.2.dev20260603
libtpu: 0.0.44.dev20260713+nightly
codegen_flags: <defaults>
</compile_context>

<pallas_src>
import functools

import jax
import jax.numpy as jnp
from jax import lax
from jax.experimental import pallas as pl
from jax.experimental.pallas import tpu as pltpu
from jax.experimental.pallas import tpu_sc as plsc

N_NODES = 10000
N_EDGES = 320000
F = 128
NUM_REL = 8
NUM_BASES = 4

NODE_BLK = 2000

NC = 2
NS = 16
NW = NC * NS
EDGES_PER_W = N_EDGES // NW
CHUNK = 80
N_CHUNKS = EDGES_PER_W // CHUNK
ROWS_MAIN = 624
ROWS_TAIL = N_NODES - NS * ROWS_MAIN
ET_BLK = 2000


def _z_body(coeff_ref, bases_ref, x_ref, z_ref):
    xb = x_ref[...]
    for r in range(NUM_REL):
        w = coeff_ref[r, 0] * bases_ref[0]
        for b in range(1, NUM_BASES):
            w = w + coeff_ref[r, b] * bases_ref[b]
        z_ref[r] = jnp.dot(xb, w, preferred_element_type=jnp.float32)


def _compute_z(coefficients, bases, x):
    return pl.pallas_call(
        _z_body,
        grid=(N_NODES // NODE_BLK,),
        in_specs=[
            pl.BlockSpec((NUM_REL, NUM_BASES), lambda i: (0, 0)),
            pl.BlockSpec((NUM_BASES, F, F), lambda i: (0, 0, 0)),
            pl.BlockSpec((NODE_BLK, F), lambda i: (i, 0)),
        ],
        out_specs=pl.BlockSpec((NUM_REL, NODE_BLK, F), lambda i: (0, i, 0)),
        out_shape=jax.ShapeDtypeStruct((NUM_REL, N_NODES, F), jnp.float32),
    )(coefficients, bases, x)


def _split_body(ei_ref, row_ref, col_ref):
    row_ref[...] = ei_ref[0]
    col_ref[...] = ei_ref[1]


def _split_edges(ei):
    return pl.pallas_call(
        _split_body,
        out_shape=[
            jax.ShapeDtypeStruct((N_EDGES,), jnp.int32),
            jax.ShapeDtypeStruct((N_EDGES,), jnp.int32),
        ],
    )(ei)


def _sc_body(z_hbm, row_hbm, col_hbm, et_hbm, zeros_hbm, out_hbm,
             row_v, src_v, et_v, dst0, dst1, rows0, rows1, acc,
             sem0, sem1, zsem):
    cid = lax.axis_index("c")
    sid = lax.axis_index("s")
    wid = sid * NC + cid

    pltpu.async_copy(zeros_hbm.at[pl.ds(sid * ROWS_MAIN, ROWS_MAIN)],
                     acc.at[pl.ds(sid * ROWS_MAIN, ROWS_MAIN)], zsem)

    @pl.when(sid == 0)
    def _zero_tail():
        pltpu.async_copy(zeros_hbm.at[pl.ds(NS * ROWS_MAIN, ROWS_TAIL)],
                         acc.at[pl.ds(NS * ROWS_MAIN, ROWS_TAIL)], zsem)

    base = wid * EDGES_PER_W
    pltpu.sync_copy(row_hbm.at[pl.ds(base, EDGES_PER_W)], row_v)
    pltpu.sync_copy(col_hbm.at[pl.ds(base, EDGES_PER_W)], src_v)

    def et_block(bk, carry):
        pltpu.sync_copy(et_hbm.at[pl.ds(base + bk * ET_BLK, ET_BLK)], et_v)

        def idx_body(j, c):
            for i in range(CHUNK // 16):
                o = j * CHUNK + i * 16
                src_v[pl.ds(bk * ET_BLK + o, 16)] = (
                    et_v[pl.ds(o, 16)] * N_NODES
                    + src_v[pl.ds(bk * ET_BLK + o, 16)])
            return c

        lax.fori_loop(0, ET_BLK // CHUNK, idx_body, 0)
        return carry

    lax.fori_loop(0, EDGES_PER_W // ET_BLK, et_block, 0)

    def start_gather(k, buf, sem):
        pltpu.async_copy(z_hbm.at[src_v.at[pl.ds(k * CHUNK, CHUNK)]], buf, sem)

    def wait_gather(buf, sem):
        pltpu.make_async_copy(z_hbm.at[src_v.at[pl.ds(0, CHUNK)]],
                              buf, sem).wait()

    def build_dst(k, dst):
        for i in range(CHUNK // 16):
            dst[pl.ds(i * 16, 16)] = row_v[pl.ds(k * CHUNK + i * 16, 16)]

    def scatter(buf, dst):
        pltpu.sync_copy(buf, acc.at[dst], add=True)

    start_gather(0, rows0, sem0)
    pltpu.make_async_copy(zeros_hbm.at[pl.ds(sid * ROWS_MAIN, ROWS_MAIN)],
                          acc.at[pl.ds(sid * ROWS_MAIN, ROWS_MAIN)],
                          zsem).wait()

    @pl.when(sid == 0)
    def _zero_tail_wait():
        pltpu.make_async_copy(zeros_hbm.at[pl.ds(NS * ROWS_MAIN, ROWS_TAIL)],
                              acc.at[pl.ds(NS * ROWS_MAIN, ROWS_TAIL)],
                              zsem).wait()

    plsc.subcore_barrier()


    def pair(k0):
        start_gather(k0 + 1, rows1, sem1)
        build_dst(k0, dst0)
        wait_gather(rows0, sem0)
        scatter(rows0, dst0)
        start_gather(k0 + 2, rows0, sem0)
        build_dst(k0 + 1, dst1)
        wait_gather(rows1, sem1)
        scatter(rows1, dst1)

    def pipe_body(g, carry):
        k0 = 4 * g
        pair(k0)
        pair(k0 + 2)
        return carry

    lax.fori_loop(0, (N_CHUNKS - 1) // 4, pipe_body, 0)
    build_dst(N_CHUNKS - 1, dst0)
    wait_gather(rows0, sem0)
    scatter(rows0, dst0)

    plsc.subcore_barrier()
    pltpu.sync_copy(acc.at[pl.ds(sid * ROWS_MAIN, ROWS_MAIN)],
                    out_hbm.at[cid].at[pl.ds(sid * ROWS_MAIN, ROWS_MAIN)])

    @pl.when(sid == 0)
    def _dump_tail():
        pltpu.sync_copy(acc.at[pl.ds(NS * ROWS_MAIN, ROWS_TAIL)],
                        out_hbm.at[cid].at[pl.ds(NS * ROWS_MAIN, ROWS_TAIL)])


@functools.cache
def _sc_scatter():
    return pl.kernel(
        _sc_body,
        out_type=jax.ShapeDtypeStruct((NC, N_NODES, F), jnp.float32),
        mesh=plsc.VectorSubcoreMesh(core_axis_name="c", subcore_axis_name="s"),
        scratch_types=[
            pltpu.VMEM((EDGES_PER_W,), jnp.int32),
            pltpu.VMEM((EDGES_PER_W,), jnp.int32),
            pltpu.VMEM((ET_BLK,), jnp.int32),
            pltpu.VMEM((CHUNK,), jnp.int32),
            pltpu.VMEM((CHUNK,), jnp.int32),
            pltpu.VMEM((CHUNK, F), jnp.float32),
            pltpu.VMEM((CHUNK, F), jnp.float32),
            pltpu.VMEM_SHARED((N_NODES, F), jnp.float32),
            pltpu.SemaphoreType.DMA,
            pltpu.SemaphoreType.DMA,
            pltpu.SemaphoreType.DMA,
        ],
    )


def _combine_body(x_ref, ws_ref, p_ref, o_ref):
    o_ref[...] = (lax.dot_general(x_ref[...], ws_ref[...],
                                  (((1,), (1,)), ((), ())),
                                  preferred_element_type=jnp.float32)
                  + p_ref[0] + p_ref[1])


def _combine(x, w_self, partials):
    return pl.pallas_call(
        _combine_body,
        grid=(N_NODES // NODE_BLK,),
        in_specs=[
            pl.BlockSpec((NODE_BLK, F), lambda i: (i, 0)),
            pl.BlockSpec((F, F), lambda i: (0, 0)),
            pl.BlockSpec((NC, NODE_BLK, F), lambda i: (0, i, 0)),
        ],
        out_specs=pl.BlockSpec((NODE_BLK, F), lambda i: (i, 0)),
        out_shape=jax.ShapeDtypeStruct((N_NODES, F), jnp.float32),
    )(x, w_self, partials)


def kernel(x, edge_index, edge_type, bases, coefficients, W_self):
    ei = edge_index.astype(jnp.int32)
    et = edge_type.astype(jnp.int32)
    row, col = _split_edges(ei)
    z = _compute_z(coefficients, bases, x).reshape(NUM_REL * N_NODES, F)
    zeros = jnp.zeros((N_NODES, F), jnp.float32)
    partials = _sc_scatter()(z, row, col, et, zeros)
    return _combine(x, W_self, partials)

# --- scband reference (transcript-rebuilt; emitter-appended) ---
"""Pipeline reference for scband-rgcnlayer-83167746719886 (READ-ONLY COPY).

The authoritative reference and input builder live on the scoring server;
editing this copy changes nothing except your own understanding.
"""

import jax, jax.numpy as jnp
import numpy as np

IN_F = 128
OUT_F = 128
NUM_REL = 8
NUM_BASES = 4
N_NODES = 10000
N_EDGES = 320000


def _xavier(key, shape):
    fan_in, fan_out = shape[-2], shape[-1]
    limit = float(np.sqrt(6.0 / (fan_in + fan_out)))
    return jax.random.uniform(key, shape, dtype=jnp.float32, minval=-limit, maxval=limit)


def setup_inputs(seed: int = 0) -> dict:
    key = jax.random.key(seed)
    k_x, k_ei, k_et, k_b, k_c, k_w = jax.random.split(key, 6)
    x = jax.random.normal(k_x, (N_NODES, IN_F), dtype=jnp.float32)
    edge_index = jax.random.randint(k_ei, (2, N_EDGES), 0, N_NODES, dtype=jnp.int64)
    edge_type = jax.random.randint(k_et, (N_EDGES,), 0, NUM_REL, dtype=jnp.int64)
    bases = _xavier(k_b, (NUM_BASES, IN_F, OUT_F))
    coefficients = _xavier(k_c, (NUM_REL, NUM_BASES))
    # nn.Linear(in, out, bias=False) weight has shape [out, in]
    limit = float(np.sqrt(1.0 / IN_F))
    W_self = jax.random.uniform(k_w, (OUT_F, IN_F), dtype=jnp.float32, minval=-limit, maxval=limit)
    return {"x": x, "edge_index": edge_index, "edge_type": edge_type,
            "bases": bases, "coefficients": coefficients, "W_self": W_self}


def reference(x, edge_index, edge_type, bases, coefficients, W_self):
    # self connection: Linear(in,out,bias=False) -> x @ W.T
    out = x @ W_self.T
    row = edge_index[0]
    col = edge_index[1]
    h = jnp.take(x, col, axis=0)  # [E, in]
    # per-edge relation coefficients: weights[r] = sum_b coeff[r,b] * bases[b]
    # => msg_e = h_e @ weights[edge_type_e] = sum_b coeff[edge_type_e, b] * (h_e @ bases[b])
    coeff_e = jnp.take(coefficients, edge_type, axis=0)  # [E, num_bases]
    msg = jnp.zeros((h.shape[0], OUT_F), dtype=jnp.float32)
    for b in range(NUM_BASES):
        msg = msg + coeff_e[:, b:b + 1] * (h @ bases[b])
    out = out.at[row].add(msg)
    return out

if __name__ == "__main__":
    import jax
    _d = setup_inputs()
    print(jax.jit(kernel)(*tuple(_d.values())))

</pallas_src>

<mosaic_0001>
#map = affine_map<(d0, d1) -> (0, 0)>
#map1 = affine_map<(d0, d1) -> (0)>
#map2 = affine_map<(d0, d1) -> (0, 0, 0)>
module attributes {stable_mosaic.version = 14 : i64} {
  func.func @_sc_body(%arg0: i32, %arg1: i32, %arg2: memref<80000x128xf32, #tpu.memory_space<hbm>>, %arg3: memref<320000xi32, #tpu.memory_space<hbm>>, %arg4: memref<320000xi32, #tpu.memory_space<hbm>>, %arg5: memref<320000xi32, #tpu.memory_space<hbm>>, %arg6: memref<10000x128xf32, #tpu.memory_space<hbm>>, %arg7: memref<2x10000x128xf32, #tpu.memory_space<hbm>>, %arg8: memref<10000xi32, #tpu.memory_space<vmem>>, %arg9: memref<10000xi32, #tpu.memory_space<vmem>>, %arg10: memref<2000xi32, #tpu.memory_space<vmem>>, %arg11: memref<80xi32, #tpu.memory_space<vmem>>, %arg12: memref<80xi32, #tpu.memory_space<vmem>>, %arg13: memref<80x128xf32, #tpu.memory_space<vmem>>, %arg14: memref<80x128xf32, #tpu.memory_space<vmem>>, %arg15: memref<10000x128xf32, #tpu.memory_space<vmem_shared>>, %arg16: memref<!tpu.dma_semaphore, #tpu.memory_space<semaphore_mem>>, %arg17: memref<!tpu.dma_semaphore, #tpu.memory_space<semaphore_mem>>, %arg18: memref<!tpu.dma_semaphore, #tpu.memory_space<semaphore_mem>>) attributes {dimension_semantics = [#tpu.dimension_semantics<core_parallel>, #tpu.dimension_semantics<subcore_parallel>], iteration_bounds = array<i64: 2, 16>, scalar_prefetch = 0 : i64, scratch_operands = 11 : i64, tpu.core_type = #tpu.core_type<sc_vector_subcore>, window_params = [{transform_indices = #map}, {transform_indices = #map1}, {transform_indices = #map1}, {transform_indices = #map1}, {transform_indices = #map}, {transform_indices = #map2}]} {
    %mul3A = arith.constant 2 : i32
    %mul3A_0 = arith.muli %arg1, %mul3A : i32
    %add3A = arith.addi %mul3A_0, %arg0 : i32
    %mul3A_1 = arith.constant 624 : i32
    %mul3A_2 = arith.muli %arg1, %mul3A_1 : i32
    %mul3A_3 = arith.constant 624 : i32
    %mul3A_4 = arith.muli %arg1, %mul3A_3 : i32
    %dma_start3A = arith.constant 0 : i32
    %dma_start3A_5 = tpu.memref_slice %arg15[%mul3A_4, %dma_start3A] : memref<10000x128xf32, #tpu.memory_space<vmem_shared>> -> memref<624x128xf32, #tpu.memory_space<vmem_shared>>
    %dma_start3A_6 = arith.constant 0 : i32
    %dma_start3A_7 = tpu.memref_slice %arg6[%mul3A_2, %dma_start3A_6] : memref<10000x128xf32, #tpu.memory_space<hbm>> -> memref<624x128xf32, #tpu.memory_space<hbm>>
    tpu.enqueue_dma source(%dma_start3A_7 : memref<624x128xf32, #tpu.memory_space<hbm>>) target(%dma_start3A_5 : memref<624x128xf32, #tpu.memory_space<vmem_shared>>) target_semaphore(%arg18 : memref<!tpu.dma_semaphore, #tpu.memory_space<semaphore_mem>>)
    %eq3A = arith.constant 0 : i32
    %eq3A_8 = arith.cmpi eq, %arg1, %eq3A : i32
    %convert_element_type3A = arith.extui %eq3A_8 : i1 to i32
    %cond3A = arith.constant 0 : i32
    %cond3A_9 = arith.cmpi ne, %convert_element_type3A, %cond3A : i32
    scf.if %cond3A_9 {
      %dma_start3A_88 = arith.constant 9984 : i32
      %dma_start3A_89 = arith.constant 0 : i32
      %dma_start3A_90 = tpu.memref_slice %arg15[%dma_start3A_88, %dma_start3A_89] : memref<10000x128xf32, #tpu.memory_space<vmem_shared>> -> memref<16x128xf32, #tpu.memory_space<vmem_shared>>
      %dma_start3A_91 = arith.constant 9984 : i32
      %dma_start3A_92 = arith.constant 0 : i32
      %dma_start3A_93 = tpu.memref_slice %arg6[%dma_start3A_91, %dma_start3A_92] : memref<10000x128xf32, #tpu.memory_space<hbm>> -> memref<16x128xf32, #tpu.memory_space<hbm>>
      tpu.enqueue_dma source(%dma_start3A_93 : memref<16x128xf32, #tpu.memory_space<hbm>>) target(%dma_start3A_90 : memref<16x128xf32, #tpu.memory_space<vmem_shared>>) target_semaphore(%arg18 : memref<!tpu.dma_semaphore, #tpu.memory_space<semaphore_mem>>)
    } else {
    }
    %mul3A_10 = arith.constant 10000 : i32
    %mul3A_11 = arith.muli %add3A, %mul3A_10 : i32
    "tpu.region"() ({
      %run_scoped3A = tpu.sem_alloc : memref<!tpu.dma_semaphore, #tpu.memory_space<semaphore_mem>>
      %dma_start3A_88 = tpu.memref_slice %arg3[%mul3A_11] : memref<320000xi32, #tpu.memory_space<hbm>> -> memref<10000xi32, #tpu.memory_space<hbm>>
      %dma_start3A_89 = tpu.memref_slice %arg3[%mul3A_11] : memref<320000xi32, #tpu.memory_space<hbm>> -> memref<10000xi32, #tpu.memory_space<hbm>>
      tpu.enqueue_dma source(%dma_start3A_89 : memref<10000xi32, #tpu.memory_space<hbm>>) target(%arg8 : memref<10000xi32, #tpu.memory_space<vmem>>) target_semaphore(%run_scoped3A : memref<!tpu.dma_semaphore, #tpu.memory_space<semaphore_mem>>)
      %dma_wait3A_90 = tpu.memref_slice %arg3[%mul3A_11] : memref<320000xi32, #tpu.memory_space<hbm>> -> memref<10000xi32, #tpu.memory_space<hbm>>
      %dma_wait3A_91 = tpu.memref_slice %arg3[%mul3A_11] : memref<320000xi32, #tpu.memory_space<hbm>> -> memref<10000xi32, #tpu.memory_space<hbm>>
      tpu.wait_dma2 semaphore(%run_scoped3A : memref<!tpu.dma_semaphore, #tpu.memory_space<semaphore_mem>>) src(%dma_wait3A_91 : memref<10000xi32, #tpu.memory_space<hbm>>) dst(%arg8 : memref<10000xi32, #tpu.memory_space<vmem>>)
      tpu.yield
    }) : () -> ()
    "tpu.region"() ({
      %run_scoped3A = tpu.sem_alloc : memref<!tpu.dma_semaphore, #tpu.memory_space<semaphore_mem>>
      %dma_start3A_88 = tpu.memref_slice %arg4[%mul3A_11] : memref<320000xi32, #tpu.memory_space<hbm>> -> memref<10000xi32, #tpu.memory_space<hbm>>
      %dma_start3A_89 = tpu.memref_slice %arg4[%mul3A_11] : memref<320000xi32, #tpu.memory_space<hbm>> -> memref<10000xi32, #tpu.memory_space<hbm>>
      tpu.enqueue_dma source(%dma_start3A_89 : memref<10000xi32, #tpu.memory_space<hbm>>) target(%arg9 : memref<10000xi32, #tpu.memory_space<vmem>>) target_semaphore(%run_scoped3A : memref<!tpu.dma_semaphore, #tpu.memory_space<semaphore_mem>>)
      %dma_wait3A_90 = tpu.memref_slice %arg4[%mul3A_11] : memref<320000xi32, #tpu.memory_space<hbm>> -> memref<10000xi32, #tpu.memory_space<hbm>>
      %dma_wait3A_91 = tpu.memref_slice %arg4[%mul3A_11] : memref<320000xi32, #tpu.memory_space<hbm>> -> memref<10000xi32, #tpu.memory_space<hbm>>
      tpu.wait_dma2 semaphore(%run_scoped3A : memref<!tpu.dma_semaphore, #tpu.memory_space<semaphore_mem>>) src(%dma_wait3A_91 : memref<10000xi32, #tpu.memory_space<hbm>>) dst(%arg9 : memref<10000xi32, #tpu.memory_space<vmem>>)
      tpu.yield
    }) : () -> ()
    %scan3A = arith.constant 0 : i32
    %scan3A_12 = arith.constant 0 : i32
    %scan3A_13 = arith.constant 5 : i32
    %scan3A_14 = arith.addi %scan3A_12, %scan3A_13 : i32
    %scan3A_15 = arith.constant 1 : i32
    scf.for %scan3A_88 = %scan3A_12 to %scan3A_14 step %scan3A_15  : i32 {
      %mul3A_89 = arith.constant 2000 : i32
      %mul3A_90 = arith.muli %scan3A_88, %mul3A_89 : i32
      %add3A_91 = arith.addi %mul3A_11, %mul3A_90 : i32
      "tpu.region"() ({
        %run_scoped3A = tpu.sem_alloc : memref<!tpu.dma_semaphore, #tpu.memory_space<semaphore_mem>>
        %dma_start3A_98 = tpu.memref_slice %arg5[%add3A_91] : memref<320000xi32, #tpu.memory_space<hbm>> -> memref<2000xi32, #tpu.memory_space<hbm>>
        %dma_start3A_99 = tpu.memref_slice %arg5[%add3A_91] : memref<320000xi32, #tpu.memory_space<hbm>> -> memref<2000xi32, #tpu.memory_space<hbm>>
        tpu.enqueue_dma source(%dma_start3A_99 : memref<2000xi32, #tpu.memory_space<hbm>>) target(%arg10 : memref<2000xi32, #tpu.memory_space<vmem>>) target_semaphore(%run_scoped3A : memref<!tpu.dma_semaphore, #tpu.memory_space<semaphore_mem>>)
        %dma_wait3A_100 = tpu.memref_slice %arg5[%add3A_91] : memref<320000xi32, #tpu.memory_space<hbm>> -> memref<2000xi32, #tpu.memory_space<hbm>>
        %dma_wait3A_101 = tpu.memref_slice %arg5[%add3A_91] : memref<320000xi32, #tpu.memory_space<hbm>> -> memref<2000xi32, #tpu.memory_space<hbm>>
        tpu.wait_dma2 semaphore(%run_scoped3A : memref<!tpu.dma_semaphore, #tpu.memory_space<semaphore_mem>>) src(%dma_wait3A_101 : memref<2000xi32, #tpu.memory_space<hbm>>) dst(%arg10 : memref<2000xi32, #tpu.memory_space<vmem>>)
        tpu.yield
      }) : () -> ()
      %scan3A_92 = arith.constant 0 : i32
      %scan3A_93 = arith.constant 0 : i32
      %scan3A_94 = arith.constant 25 : i32
      %scan3A_95 = arith.addi %scan3A_93, %scan3A_94 : i32
      %scan3A_96 = arith.constant 1 : i32
      scf.for %scan3A_98 = %scan3A_93 to %scan3A_95 step %scan3A_96  : i32 {
        %mul3A_99 = arith.constant 80 : i32
        %mul3A_100 = arith.muli %scan3A_98, %mul3A_99 : i32
        %add3A_101 = arith.constant 0 : i32
        %add3A_102 = arith.addi %mul3A_100, %add3A_101 : i32
        %get3A_103 = arith.index_cast %add3A_102 : i32 to index
        %get3A_104 = tpu.vector_load %arg10[%get3A_103] {strides = array<i32>} : memref<2000xi32, #tpu.memory_space<vmem>>, vector<16xi32>,
        %get3A_105 = vector.shape_cast %get3A_104 : vector<16xi32> to vector<16xi32>
        %mul3A_106 = arith.constant 10000 : i32
        %mul3A_107 = vector.broadcast %mul3A_106 : i32 to vector<16xi32>
        %mul3A_108 = arith.muli %get3A_105, %mul3A_107 : vector<16xi32>
        %mul3A_109 = arith.constant 2000 : i32
        %mul3A_110 = arith.muli %scan3A_88, %mul3A_109 : i32
        %add3A_111 = arith.addi %mul3A_110, %add3A_102 : i32
        %get3A_112 = arith.index_cast %add3A_111 : i32 to index
        %get3A_113 = tpu.vector_load %arg9[%get3A_112] {strides = array<i32>} : memref<10000xi32, #tpu.memory_space<vmem>>, vector<16xi32>,
        %get3A_114 = vector.shape_cast %get3A_113 : vector<16xi32> to vector<16xi32>
        %add3A_115 = arith.addi %mul3A_108, %get3A_114 : vector<16xi32>
        %mul3A_116 = arith.constant 2000 : i32
        %mul3A_117 = arith.muli %scan3A_88, %mul3A_116 : i32
        %add3A_118 = arith.addi %mul3A_117, %add3A_102 : i32
        %swap3A_119 = arith.index_cast %add3A_118 : i32 to index
        %swap3A_120 = tpu.vector_load %arg9[%swap3A_119] {strides = array<i32>} : memref<10000xi32, #tpu.memory_space<vmem>>, vector<16xi32>,
        %swap3A_121 = vector.shape_cast %swap3A_120 : vector<16xi32> to vector<16xi32>
        %swap3A_122 = vector.shape_cast %add3A_115 : vector<16xi32> to vector<16xi32>
        tpu.vector_store %arg9[%swap3A_119], %swap3A_122 {strides = array<i32>} : memref<10000xi32, #tpu.memory_space<vmem>>, vector<16xi32>,
        %mul3A_123 = arith.constant 80 : i32
        %mul3A_124 = arith.muli %scan3A_98, %mul3A_123 : i32
        %add3A_125 = arith.constant 16 : i32
        %add3A_126 = arith.addi %mul3A_124, %add3A_125 : i32
        %get3A_127 = arith.index_cast %add3A_126 : i32 to index
        %get3A_128 = tpu.vector_load %arg10[%get3A_127] {strides = array<i32>} : memref<2000xi32, #tpu.memory_space<vmem>>, vector<16xi32>,
        %get3A_129 = vector.shape_cast %get3A_128 : vector<16xi32> to vector<16xi32>
        %mul3A_130 = arith.constant 10000 : i32
        %mul3A_131 = vector.broadcast %mul3A_130 : i32 to vector<16xi32>
        %mul3A_132 = arith.muli %get3A_129, %mul3A_131 : vector<16xi32>
        %mul3A_133 = arith.constant 2000 : i32
        %mul3A_134 = arith.muli %scan3A_88, %mul3A_133 : i32
        %add3A_135 = arith.addi %mul3A_134, %add3A_126 : i32
        %get3A_136 = arith.index_cast %add3A_135 : i32 to index
        %get3A_137 = tpu.vector_load %arg9[%get3A_136] {strides = array<i32>} : memref<10000xi32, #tpu.memory_space<vmem>>, vector<16xi32>,
        %get3A_138 = vector.shape_cast %get3A_137 : vector<16xi32> to vector<16xi32>
        %add3A_139 = arith.addi %mul3A_132, %get3A_138 : vector<16xi32>
        %mul3A_140 = arith.constant 2000 : i32
        %mul3A_141 = arith.muli %scan3A_88, %mul3A_140 : i32
        %add3A_142 = arith.addi %mul3A_141, %add3A_126 : i32
        %swap3A_143 = arith.index_cast %add3A_142 : i32 to index
        %swap3A_144 = tpu.vector_load %arg9[%swap3A_143] {strides = array<i32>} : memref<10000xi32, #tpu.memory_space<vmem>>, vector<16xi32>,
        %swap3A_145 = vector.shape_cast %swap3A_144 : vector<16xi32> to vector<16xi32>
        %swap3A_146 = vector.shape_cast %add3A_139 : vector<16xi32> to vector<16xi32>
        tpu.vector_store %arg9[%swap3A_143], %swap3A_146 {strides = array<i32>} : memref<10000xi32, #tpu.memory_space<vmem>>, vector<16xi32>,
        %mul3A_147 = arith.constant 80 : i32
        %mul3A_148 = arith.muli %scan3A_98, %mul3A_147 : i32
        %add3A_149 = arith.constant 32 : i32
        %add3A_150 = arith.addi %mul3A_148, %add3A_149 : i32
        %get3A_151 = arith.index_cast %add3A_150 : i32 to index
        %get3A_152 = tpu.vector_load %arg10[%get3A_151] {strides = array<i32>} : memref<2000xi32, #tpu.memory_space<vmem>>, vector<16xi32>,
        %get3A_153 = vector.shape_cast %get3A_152 : vector<16xi32> to vector<16xi32>
        %mul3A_154 = arith.constant 10000 : i32
        %mul3A_155 = vector.broadcast %mul3A_154 : i32 to vector<16xi32>
        %mul3A_156 = arith.muli %get3A_153, %mul3A_155 : vector<16xi32>
        %mul3A_157 = arith.constant 2000 : i32
        %mul3A_158 = arith.muli %scan3A_88, %mul3A_157 : i32
        %add3A_159 = arith.addi %mul3A_158, %add3A_150 : i32
        %get3A_160 = arith.index_cast %add3A_159 : i32 to index
        %get3A_161 = tpu.vector_load %arg9[%get3A_160] {strides = array<i32>} : memref<10000xi32, #tpu.memory_space<vmem>>, vector<16xi32>,
        %get3A_162 = vector.shape_cast %get3A_161 : vector<16xi32> to vector<16xi32>
        %add3A_163 = arith.addi %mul3A_156, %get3A_162 : vector<16xi32>
        %mul3A_164 = arith.constant 2000 : i32
        %mul3A_165 = arith.muli %scan3A_88, %mul3A_164 : i32
        %add3A_166 = arith.addi %mul3A_165, %add3A_150 : i32
        %swap3A_167 = arith.index_cast %add3A_166 : i32 to index
        %swap3A_168 = tpu.vector_load %arg9[%swap3A_167] {strides = array<i32>} : memref<10000xi32, #tpu.memory_space<vmem>>, vector<16xi32>,
        %swap3A_169 = vector.shape_cast %swap3A_168 : vector<16xi32> to vector<16xi32>
        %swap3A_170 = vector.shape_cast %add3A_163 : vector<16xi32> to vector<16xi32>
        tpu.vector_store %arg9[%swap3A_167], %swap3A_170 {strides = array<i32>} : memref<10000xi32, #tpu.memory_space<vmem>>, vector<16xi32>,
        %mul3A_171 = arith.constant 80 : i32
        %mul3A_172 = arith.muli %scan3A_98, %mul3A_171 : i32
        %add3A_173 = arith.constant 48 : i32
        %add3A_174 = arith.addi %mul3A_172, %add3A_173 : i32
        %get3A_175 = arith.index_cast %add3A_174 : i32 to index
        %get3A_176 = tpu.vector_load %arg10[%get3A_175] {strides = array<i32>} : memref<2000xi32, #tpu.memory_space<vmem>>, vector<16xi32>,
        %get3A_177 = vector.shape_cast %get3A_176 : vector<16xi32> to vector<16xi32>
        %mul3A_178 = arith.constant 10000 : i32
        %mul3A_179 = vector.broadcast %mul3A_178 : i32 to vector<16xi32>
        %mul3A_180 = arith.muli %get3A_177, %mul3A_179 : vector<16xi32>
        %mul3A_181 = arith.constant 2000 : i32
        %mul3A_182 = arith.muli %scan3A_88, %mul3A_181 : i32
        %add3A_183 = arith.addi %mul3A_182, %add3A_174 : i32
        %get3A_184 = arith.index_cast %add3A_183 : i32 to index
        %get3A_185 = tpu.vector_load %arg9[%get3A_184] {strides = array<i32>} : memref<10000xi32, #tpu.memory_space<vmem>>, vector<16xi32>,
        %get3A_186 = vector.shape_cast %get3A_185 : vector<16xi32> to vector<16xi32>
        %add3A_187 = arith.addi %mul3A_180, %get3A_186 : vector<16xi32>
        %mul3A_188 = arith.constant 2000 : i32
        %mul3A_189 = arith.muli %scan3A_88, %mul3A_188 : i32
        %add3A_190 = arith.addi %mul3A_189, %add3A_174 : i32
        %swap3A_191 = arith.index_cast %add3A_190 : i32 to index
        %swap3A_192 = tpu.vector_load %arg9[%swap3A_191] {strides = array<i32>} : memref<10000xi32, #tpu.memory_space<vmem>>, vector<16xi32>,
        %swap3A_193 = vector.shape_cast %swap3A_192 : vector<16xi32> to vector<16xi32>
        %swap3A_194 = vector.shape_cast %add3A_187 : vector<16xi32> to vector<16xi32>
        tpu.vector_store %arg9[%swap3A_191], %swap3A_194 {strides = array<i32>} : memref<10000xi32, #tpu.memory_space<vmem>>, vector<16xi32>,
        %mul3A_195 = arith.constant 80 : i32
        %mul3A_196 = arith.muli %scan3A_98, %mul3A_195 : i32
        %add3A_197 = arith.constant 64 : i32
        %add3A_198 = arith.addi %mul3A_196, %add3A_197 : i32
        %get3A_199 = arith.index_cast %add3A_198 : i32 to index
        %get3A_200 = tpu.vector_load %arg10[%get3A_199] {strides = array<i32>} : memref<2000xi32, #tpu.memory_space<vmem>>, vector<16xi32>,
        %get3A_201 = vector.shape_cast %get3A_200 : vector<16xi32> to vector<16xi32>
        %mul3A_202 = arith.constant 10000 : i32
        %mul3A_203 = vector.broadcast %mul3A_202 : i32 to vector<16xi32>
        %mul3A_204 = arith.muli %get3A_201, %mul3A_203 : vector<16xi32>
        %mul3A_205 = arith.constant 2000 : i32
        %mul3A_206 = arith.muli %scan3A_88, %mul3A_205 : i32
        %add3A_207 = arith.addi %mul3A_206, %add3A_198 : i32
        %get3A_208 = arith.index_cast %add3A_207 : i32 to index
        %get3A_209 = tpu.vector_load %arg9[%get3A_208] {strides = array<i32>} : memref<10000xi32, #tpu.memory_space<vmem>>, vector<16xi32>,
        %get3A_210 = vector.shape_cast %get3A_209 : vector<16xi32> to vector<16xi32>
        %add3A_211 = arith.addi %mul3A_204, %get3A_210 : vector<16xi32>
        %mul3A_212 = arith.constant 2000 : i32
        %mul3A_213 = arith.muli %scan3A_88, %mul3A_212 : i32
        %add3A_214 = arith.addi %mul3A_213, %add3A_198 : i32
        %swap3A_215 = arith.index_cast %add3A_214 : i32 to index
        %swap3A_216 = tpu.vector_load %arg9[%swap3A_215] {strides = array<i32>} : memref<10000xi32, #tpu.memory_space<vmem>>, vector<16xi32>,
        %swap3A_217 = vector.shape_cast %swap3A_216 : vector<16xi32> to vector<16xi32>
        %swap3A_218 = vector.shape_cast %add3A_211 : vector<16xi32> to vector<16xi32>
        tpu.vector_store %arg9[%swap3A_215], %swap3A_218 {strides = array<i32>} : memref<10000xi32, #tpu.memory_space<vmem>>, vector<16xi32>,
      }
      %scan3A_97 = arith.constant 25 : i32
    }
    %scan3A_16 = arith.constant 5 : i32
    %dma_start3A_17 = arith.constant 0 : i32
    %dma_start3A_18 = tpu.memref_slice %arg9[%dma_start3A_17] : memref<10000xi32, #tpu.memory_space<vmem>> -> memref<80xi32, #tpu.memory_space<vmem>>
    %dma_start3A_19 = arith.constant 0 : i32
    %dma_start3A_20 = arith.constant 0 : i32
    %dma_start3A_21 = tpu.memref_slice %arg2[%dma_start3A_19, %dma_start3A_20] : memref<80000x128xf32, #tpu.memory_space<hbm>> -> memref<80000x128xf32, #tpu.memory_space<hbm>>
    tpu.enqueue_indirect_dma source(%dma_start3A_21 : memref<80000x128xf32, #tpu.memory_space<hbm>>) target(%arg13 : memref<80x128xf32, #tpu.memory_space<vmem>>) offsets(%dma_start3A_18 : memref<80xi32, #tpu.memory_space<vmem>>) semaphore(%arg16 : memref<!tpu.dma_semaphore, #tpu.memory_space<semaphore_mem>>)
    %mul3A_22 = arith.constant 624 : i32
    %mul3A_23 = arith.muli %arg1, %mul3A_22 : i32
    %mul3A_24 = arith.constant 624 : i32
    %mul3A_25 = arith.muli %arg1, %mul3A_24 : i32
    %dma_wait3A = arith.constant 0 : i32
    %dma_wait3A_26 = tpu.memref_slice %arg15[%mul3A_25, %dma_wait3A] : memref<10000x128xf32, #tpu.memory_space<vmem_shared>> -> memref<624x128xf32, #tpu.memory_space<vmem_shared>>
    %dma_wait3A_27 = arith.constant 0 : i32
    %dma_wait3A_28 = tpu.memref_slice %arg6[%mul3A_23, %dma_wait3A_27] : memref<10000x128xf32, #tpu.memory_space<hbm>> -> memref<624x128xf32, #tpu.memory_space<hbm>>
    tpu.wait_dma2 semaphore(%arg18 : memref<!tpu.dma_semaphore, #tpu.memory_space<semaphore_mem>>) src(%dma_wait3A_28 : memref<624x128xf32, #tpu.memory_space<hbm>>) dst(%dma_wait3A_26 : memref<624x128xf32, #tpu.memory_space<vmem_shared>>)
    %eq3A_29 = arith.constant 0 : i32
    %eq3A_30 = arith.cmpi eq, %arg1, %eq3A_29 : i32
    %convert_element_type3A_31 = arith.extui %eq3A_30 : i1 to i32
    %cond3A_32 = arith.constant 0 : i32
    %cond3A_33 = arith.cmpi ne, %convert_element_type3A_31, %cond3A_32 : i32
    scf.if %cond3A_33 {
      %dma_wait3A_88 = arith.constant 9984 : i32
      %dma_wait3A_89 = arith.constant 0 : i32
      %dma_wait3A_90 = tpu.memref_slice %arg15[%dma_wait3A_88, %dma_wait3A_89] : memref<10000x128xf32, #tpu.memory_space<vmem_shared>> -> memref<16x128xf32, #tpu.memory_space<vmem_shared>>
      %dma_wait3A_91 = arith.constant 9984 : i32
      %dma_wait3A_92 = arith.constant 0 : i32
      %dma_wait3A_93 = tpu.memref_slice %arg6[%dma_wait3A_91, %dma_wait3A_92] : memref<10000x128xf32, #tpu.memory_space<hbm>> -> memref<16x128xf32, #tpu.memory_space<hbm>>
      tpu.wait_dma2 semaphore(%arg18 : memref<!tpu.dma_semaphore, #tpu.memory_space<semaphore_mem>>) src(%dma_wait3A_93 : memref<16x128xf32, #tpu.memory_space<hbm>>) dst(%dma_wait3A_90 : memref<16x128xf32, #tpu.memory_space<vmem_shared>>)
    } else {
    }
    %barrier3A = arith.constant 0 : index
    tpu.barrier barrier_id(%barrier3A)
    %scan3A_34 = arith.constant 0 : i32
    %scan3A_35 = arith.constant 0 : i32
    %scan3A_36 = arith.constant 31 : i32
    %scan3A_37 = arith.addi %scan3A_35, %scan3A_36 : i32
    %scan3A_38 = arith.constant 1 : i32
    scf.for %scan3A_88 = %scan3A_35 to %scan3A_37 step %scan3A_38  : i32 {
      %mul3A_89 = arith.constant 4 : i32
      %mul3A_90 = arith.muli %mul3A_89, %scan3A_88 : i32
      %add3A_91 = arith.constant 1 : i32
      %add3A_92 = arith.addi %mul3A_90, %add3A_91 : i32
      %mul3A_93 = arith.constant 80 : i32
      %mul3A_94 = arith.muli %add3A_92, %mul3A_93 : i32
      %dma_start3A_95 = tpu.memref_slice %arg9[%mul3A_94] : memref<10000xi32, #tpu.memory_space<vmem>> -> memref<80xi32, #tpu.memory_space<vmem>>
      %dma_start3A_96 = arith.constant 0 : i32
      %dma_start3A_97 = arith.constant 0 : i32
      %dma_start3A_98 = tpu.memref_slice %arg2[%dma_start3A_96, %dma_start3A_97] : memref<80000x128xf32, #tpu.memory_space<hbm>> -> memref<80000x128xf32, #tpu.memory_space<hbm>>
      tpu.enqueue_indirect_dma source(%dma_start3A_98 : memref<80000x128xf32, #tpu.memory_space<hbm>>) target(%arg14 : memref<80x128xf32, #tpu.memory_space<vmem>>) offsets(%dma_start3A_95 : memref<80xi32, #tpu.memory_space<vmem>>) semaphore(%arg17 : memref<!tpu.dma_semaphore, #tpu.memory_space<semaphore_mem>>)
      %mul3A_99 = arith.constant 80 : i32
      %mul3A_100 = arith.muli %mul3A_90, %mul3A_99 : i32
      %add3A_101 = arith.constant 0 : i32
      %add3A_102 = arith.addi %mul3A_100, %add3A_101 : i32
      %get3A_103 = arith.index_cast %add3A_102 : i32 to index
      %get3A_104 = tpu.vector_load %arg8[%get3A_103] {strides = array<i32>} : memref<10000xi32, #tpu.memory_space<vmem>>, vector<16xi32>,
      %get3A_105 = vector.shape_cast %get3A_104 : vector<16xi32> to vector<16xi32>
      %swap3A_106 = arith.constant 0 : index
      %swap3A_107 = tpu.vector_load %arg11[%swap3A_106] {strides = array<i32>} : memref<80xi32, #tpu.memory_space<vmem>>, vector<16xi32>,
      %swap3A_108 = vector.shape_cast %swap3A_107 : vector<16xi32> to vector<16xi32>
      %swap3A_109 = vector.shape_cast %get3A_105 : vector<16xi32> to vector<16xi32>
      tpu.vector_store %arg11[%swap3A_106], %swap3A_109 {strides = array<i32>} : memref<80xi32, #tpu.memory_space<vmem>>, vector<16xi32>,
      %mul3A_110 = arith.constant 80 : i32
      %mul3A_111 = arith.muli %mul3A_90, %mul3A_110 : i32
      %add3A_112 = arith.constant 16 : i32
      %add3A_113 = arith.addi %mul3A_111, %add3A_112 : i32
      %get3A_114 = arith.index_cast %add3A_113 : i32 to index
      %get3A_115 = tpu.vector_load %arg8[%get3A_114] {strides = array<i32>} : memref<10000xi32, #tpu.memory_space<vmem>>, vector<16xi32>,
      %get3A_116 = vector.shape_cast %get3A_115 : vector<16xi32> to vector<16xi32>
      %swap3A_117 = arith.constant 16 : index
      %swap3A_118 = tpu.vector_load %arg11[%swap3A_117] {strides = array<i32>} : memref<80xi32, #tpu.memory_space<vmem>>, vector<16xi32>,
      %swap3A_119 = vector.shape_cast %swap3A_118 : vector<16xi32> to vector<16xi32>
      %swap3A_120 = vector.shape_cast %get3A_116 : vector<16xi32> to vector<16xi32>
      tpu.vector_store %arg11[%swap3A_117], %swap3A_120 {strides = array<i32>} : memref<80xi32, #tpu.memory_space<vmem>>, vector<16xi32>,
      %mul3A_121 = arith.constant 80 : i32
      %mul3A_122 = arith.muli %mul3A_90, %mul3A_121 : i32
      %add3A_123 = arith.constant 32 : i32
      %add3A_124 = arith.addi %mul3A_122, %add3A_123 : i32
      %get3A_125 = arith.index_cast %add3A_124 : i32 to index
      %get3A_126 = tpu.vector_load %arg8[%get3A_125] {strides = array<i32>} : memref<10000xi32, #tpu.memory_space<vmem>>, vector<16xi32>,
      %get3A_127 = vector.shape_cast %get3A_126 : vector<16xi32> to vector<16xi32>
      %swap3A_128 = arith.constant 32 : index
      %swap3A_129 = tpu.vector_load %arg11[%swap3A_128] {strides = array<i32>} : memref<80xi32, #tpu.memory_space<vmem>>, vector<16xi32>,
      %swap3A_130 = vector.shape_cast %swap3A_129 : vector<16xi32> to vector<16xi32>
      %swap3A_131 = vector.shape_cast %get3A_127 : vector<16xi32> to vector<16xi32>
      tpu.vector_store %arg11[%swap3A_128], %swap3A_131 {strides = array<i32>} : memref<80xi32, #tpu.memory_space<vmem>>, vector<16xi32>,
      %mul3A_132 = arith.constant 80 : i32
      %mul3A_133 = arith.muli %mul3A_90, %mul3A_132 : i32
      %add3A_134 = arith.constant 48 : i32
      %add3A_135 = arith.addi %mul3A_133, %add3A_134 : i32
      %get3A_136 = arith.index_cast %add3A_135 : i32 to index
      %get3A_137 = tpu.vector_load %arg8[%get3A_136] {strides = array<i32>} : memref<10000xi32, #tpu.memory_space<vmem>>, vector<16xi32>,
      %get3A_138 = vector.shape_cast %get3A_137 : vector<16xi32> to vector<16xi32>
      %swap3A_139 = arith.constant 48 : index
      %swap3A_140 = tpu.vector_load %arg11[%swap3A_139] {strides = array<i32>} : memref<80xi32, #tpu.memory_space<vmem>>, vector<16xi32>,
      %swap3A_141 = vector.shape_cast %swap3A_140 : vector<16xi32> to vector<16xi32>
      %swap3A_142 = vector.shape_cast %get3A_138 : vector<16xi32> to vector<16xi32>
      tpu.vector_store %arg11[%swap3A_139], %swap3A_142 {strides = array<i32>} : memref<80xi32, #tpu.memory_space<vmem>>, vector<16xi32>,
      %mul3A_143 = arith.constant 80 : i32
      %mul3A_144 = arith.muli %mul3A_90, %mul3A_143 : i32
      %add3A_145 = arith.constant 64 : i32
      %add3A_146 = arith.addi %mul3A_144, %add3A_145 : i32
      %get3A_147 = arith.index_cast %add3A_146 : i32 to index
      %get3A_148 = tpu.vector_load %arg8[%get3A_147] {strides = array<i32>} : memref<10000xi32, #tpu.memory_space<vmem>>, vector<16xi32>,
      %get3A_149 = vector.shape_cast %get3A_148 : vector<16xi32> to vector<16xi32>
      %swap3A_150 = arith.constant 64 : index
      %swap3A_151 = tpu.vector_load %arg11[%swap3A_150] {strides = array<i32>} : memref<80xi32, #tpu.memory_space<vmem>>, vector<16xi32>,
      %swap3A_152 = vector.shape_cast %swap3A_151 : vector<16xi32> to vector<16xi32>
      %swap3A_153 = vector.shape_cast %get3A_149 : vector<16xi32> to vector<16xi32>
      tpu.vector_store %arg11[%swap3A_150], %swap3A_153 {strides = array<i32>} : memref<80xi32, #tpu.memory_space<vmem>>, vector<16xi32>,
      %dma_wait3A_154 = arith.constant 0 : i32
      %dma_wait3A_155 = tpu.memref_slice %arg9[%dma_wait3A_154] : memref<10000xi32, #tpu.memory_space<vmem>> -> memref<80xi32, #tpu.memory_space<vmem>>
      %dma_wait3A_156 = arith.constant 0 : i32
      %dma_wait3A_157 = arith.constant 0 : i32
      %dma_wait3A_158 = tpu.memref_slice %arg2[%dma_wait3A_156, %dma_wait3A_157] : memref<80000x128xf32, #tpu.memory_space<hbm>> -> memref<80000x128xf32, #tpu.memory_space<hbm>>
      tpu.wait_indirect_dma semaphore(%arg16 : memref<!tpu.dma_semaphore, #tpu.memory_space<semaphore_mem>>) src(%dma_wait3A_158 : memref<80000x128xf32, #tpu.memory_space<hbm>>) dst(%arg13 : memref<80x128xf32, #tpu.memory_space<vmem>>)
      "tpu.region"() ({
        %run_scoped3A = tpu.sem_alloc : memref<!tpu.dma_semaphore, #tpu.memory_space<semaphore_mem>>
        %dma_start3A_369 = arith.constant 0 : i32
        %dma_start3A_370 = arith.constant 0 : i32
        %dma_start3A_371 = tpu.memref_slice %arg15[%dma_start3A_369, %dma_start3A_370] : memref<10000x128xf32, #tpu.memory_space<vmem_shared>> -> memref<10000x128xf32, #tpu.memory_space<vmem_shared>>
        tpu.enqueue_indirect_dma source(%arg13 : memref<80x128xf32, #tpu.memory_space<vmem>>) target(%dma_start3A_371 : memref<10000x128xf32, #tpu.memory_space<vmem_shared>>) offsets(%arg11 : memref<80xi32, #tpu.memory_space<vmem>>) semaphore(%run_scoped3A : memref<!tpu.dma_semaphore, #tpu.memory_space<semaphore_mem>>) {add = true}
        %dma_wait3A_372 = arith.constant 0 : i32
        %dma_wait3A_373 = arith.constant 0 : i32
        %dma_wait3A_374 = tpu.memref_slice %arg15[%dma_wait3A_372, %dma_wait3A_373] : memref<10000x128xf32, #tpu.memory_space<vmem_shared>> -> memref<10000x128xf32, #tpu.memory_space<vmem_shared>>
        tpu.wait_indirect_dma semaphore(%run_scoped3A : memref<!tpu.dma_semaphore, #tpu.memory_space<semaphore_mem>>) src(%arg13 : memref<80x128xf32, #tpu.memory_space<vmem>>) dst(%dma_wait3A_374 : memref<10000x128xf32, #tpu.memory_space<vmem_shared>>)
        tpu.yield
      }) : () -> ()
      %add3A_159 = arith.constant 2 : i32
      %add3A_160 = arith.addi %mul3A_90, %add3A_159 : i32
      %mul3A_161 = arith.constant 80 : i32
      %mul3A_162 = arith.muli %add3A_160, %mul3A_161 : i32
      %dma_start3A_163 = tpu.memref_slice %arg9[%mul3A_162] : memref<10000xi32, #tpu.memory_space<vmem>> -> memref<80xi32, #tpu.memory_space<vmem>>
      %dma_start3A_164 = arith.constant 0 : i32
      %dma_start3A_165 = arith.constant 0 : i32
      %dma_start3A_166 = tpu.memref_slice %arg2[%dma_start3A_164, %dma_start3A_165] : memref<80000x128xf32, #tpu.memory_space<hbm>> -> memref<80000x128xf32, #tpu.memory_space<hbm>>
      tpu.enqueue_indirect_dma source(%dma_start3A_166 : memref<80000x128xf32, #tpu.memory_space<hbm>>) target(%arg13 : memref<80x128xf32, #tpu.memory_space<vmem>>) offsets(%dma_start3A_163 : memref<80xi32, #tpu.memory_space<vmem>>) semaphore(%arg16 : memref<!tpu.dma_semaphore, #tpu.memory_space<semaphore_mem>>)
      %add3A_167 = arith.constant 1 : i32
      %add3A_168 = arith.addi %mul3A_90, %add3A_167 : i32
      %mul3A_169 = arith.constant 80 : i32
      %mul3A_170 = arith.muli %add3A_168, %mul3A_169 : i32
      %add3A_171 = arith.constant 0 : i32
      %add3A_172 = arith.addi %mul3A_170, %add3A_171 : i32
      %get3A_173 = arith.index_cast %add3A_172 : i32 to index
      %get3A_174 = tpu.vector_load %arg8[%get3A_173] {strides = array<i32>} : memref<10000xi32, #tpu.memory_space<vmem>>, vector<16xi32>,
      %get3A_175 = vector.shape_cast %get3A_174 : vector<16xi32> to vector<16xi32>
      %swap3A_176 = arith.constant 0 : index
      %swap3A_177 = tpu.vector_load %arg12[%swap3A_176] {strides = array<i32>} : memref<80xi32, #tpu.memory_space<vmem>>, vector<16xi32>,
      %swap3A_178 = vector.shape_cast %swap3A_177 : vector<16xi32> to vector<16xi32>
      %swap3A_179 = vector.shape_cast %get3A_175 : vector<16xi32> to vector<16xi32>
      tpu.vector_store %arg12[%swap3A_176], %swap3A_179 {strides = array<i32>} : memref<80xi32, #tpu.memory_space<vmem>>, vector<16xi32>,
      %mul3A_180 = arith.constant 80 : i32
      %mul3A_181 = arith.muli %add3A_168, %mul3A_180 : i32
      %add3A_182 = arith.constant 16 : i32
      %add3A_183 = arith.addi %mul3A_181, %add3A_182 : i32
      %get3A_184 = arith.index_cast %add3A_183 : i32 to index
      %get3A_185 = tpu.vector_load %arg8[%get3A_184] {strides = array<i32>} : memref<10000xi32, #tpu.memory_space<vmem>>, vector<16xi32>,
      %get3A_186 = vector.shape_cast %get3A_185 : vector<16xi32> to vector<16xi32>
      %swap3A_187 = arith.constant 16 : index
      %swap3A_188 = tpu.vector_load %arg12[%swap3A_187] {strides = array<i32>} : memref<80xi32, #tpu.memory_space<vmem>>, vector<16xi32>,
      %swap3A_189 = vector.shape_cast %swap3A_188 : vector<16xi32> to vector<16xi32>
      %swap3A_190 = vector.shape_cast %get3A_186 : vector<16xi32> to vector<16xi32>
      tpu.vector_store %arg12[%swap3A_187], %swap3A_190 {strides = array<i32>} : memref<80xi32, #tpu.memory_space<vmem>>, vector<16xi32>,
      %mul3A_191 = arith.constant 80 : i32
      %mul3A_192 = arith.muli %add3A_168, %mul3A_191 : i32
      %add3A_193 = arith.constant 32 : i32
      %add3A_194 = arith.addi %mul3A_192, %add3A_193 : i32
      %get3A_195 = arith.index_cast %add3A_194 : i32 to index
      %get3A_196 = tpu.vector_load %arg8[%get3A_195] {strides = array<i32>} : memref<10000xi32, #tpu.memory_space<vmem>>, vector<16xi32>,
      %get3A_197 = vector.shape_cast %get3A_196 : vector<16xi32> to vector<16xi32>
      %swap3A_198 = arith.constant 32 : index
      %swap3A_199 = tpu.vector_load %arg12[%swap3A_198] {strides = array<i32>} : memref<80xi32, #tpu.memory_space<vmem>>, vector<16xi32>,
      %swap3A_200 = vector.shape_cast %swap3A_199 : vector<16xi32> to vector<16xi32>
      %swap3A_201 = vector.shape_cast %get3A_197 : vector<16xi32> to vector<16xi32>
      tpu.vector_store %arg12[%swap3A_198], %swap3A_201 {strides = array<i32>} : memref<80xi32, #tpu.memory_space<vmem>>, vector<16xi32>,
      %mul3A_202 = arith.constant 80 : i32
      %mul3A_203 = arith.muli %add3A_168, %mul3A_202 : i32
      %add3A_204 = arith.constant 48 : i32
      %add3A_205 = arith.addi %mul3A_203, %add3A_204 : i32
      %get3A_206 = arith.index_cast %add3A_205 : i32 to index
      %get3A_207 = tpu.vector_load %arg8[%get3A_206] {strides = array<i32>} : memref<10000xi32, #tpu.memory_space<vmem>>, vector<16xi32>,
      %get3A_208 = vector.shape_cast %get3A_207 : vector<16xi32> to vector<16xi32>
      %swap3A_209 = arith.constant 48 : index
      %swap3A_210 = tpu.vector_load %arg12[%swap3A_209] {strides = array<i32>} : memref<80xi32, #tpu.memory_space<vmem>>, vector<16xi32>,
      %swap3A_211 = vector.shape_cast %swap3A_210 : vector<16xi32> to vector<16xi32>
      %swap3A_212 = vector.shape_cast %get3A_208 : vector<16xi32> to vector<16xi32>
      tpu.vector_store %arg12[%swap3A_209], %swap3A_212 {strides = array<i32>} : memref<80xi32, #tpu.memory_space<vmem>>, vector<16xi32>,
      %mul3A_213 = arith.constant 80 : i32
      %mul3A_214 = arith.muli %add3A_168, %mul3A_213 : i32
      %add3A_215 = arith.constant 64 : i32
      %add3A_216 = arith.addi %mul3A_214, %add3A_215 : i32
      %get3A_217 = arith.index_cast %add3A_216 : i32 to index
      %get3A_218 = tpu.vector_load %arg8[%get3A_217] {strides = array<i32>} : memref<10000xi32, #tpu.memory_space<vmem>>, vector<16xi32>,
      %get3A_219 = vector.shape_cast %get3A_218 : vector<16xi32> to vector<16xi32>
      %swap3A_220 = arith.constant 64 : index
      %swap3A_221 = tpu.vector_load %arg12[%swap3A_220] {strides = array<i32>} : memref<80xi32, #tpu.memory_space<vmem>>, vector<16xi32>,
      %swap3A_222 = vector.shape_cast %swap3A_221 : vector<16xi32> to vector<16xi32>
      %swap3A_223 = vector.shape_cast %get3A_219 : vector<16xi32> to vector<16xi32>
      tpu.vector_store %arg12[%swap3A_220], %swap3A_223 {strides = array<i32>} : memref<80xi32, #tpu.memory_space<vmem>>, vector<16xi32>,
      %dma_wait3A_224 = arith.constant 0 : i32
      %dma_wait3A_225 = tpu.memref_slice %arg9[%dma_wait3A_224] : memref<10000xi32, #tpu.memory_space<vmem>> -> memref<80xi32, #tpu.memory_space<vmem>>
      %dma_wait3A_226 = arith.constant 0 : i32
      %dma_wait3A_227 = arith.constant 0 : i32
      %dma_wait3A_228 = tpu.memref_slice %arg2[%dma_wait3A_226, %dma_wait3A_227] : memref<80000x128xf32, #tpu.memory_space<hbm>> -> memref<80000x128xf32, #tpu.memory_space<hbm>>
      tpu.wait_indirect_dma semaphore(%arg17 : memref<!tpu.dma_semaphore, #tpu.memory_space<semaphore_mem>>) src(%dma_wait3A_228 : memref<80000x128xf32, #tpu.memory_space<hbm>>) dst(%arg14 : memref<80x128xf32, #tpu.memory_space<vmem>>)
      "tpu.region"() ({
        %run_scoped3A = tpu.sem_alloc : memref<!tpu.dma_semaphore, #tpu.memory_space<semaphore_mem>>
        %dma_start3A_369 = arith.constant 0 : i32
        %dma_start3A_370 = arith.constant 0 : i32
        %dma_start3A_371 = tpu.memref_slice %arg15[%dma_start3A_369, %dma_start3A_370] : memref<10000x128xf32, #tpu.memory_space<vmem_shared>> -> memref<10000x128xf32, #tpu.memory_space<vmem_shared>>
        tpu.enqueue_indirect_dma source(%arg14 : memref<80x128xf32, #tpu.memory_space<vmem>>) target(%dma_start3A_371 : memref<10000x128xf32, #tpu.memory_space<vmem_shared>>) offsets(%arg12 : memref<80xi32, #tpu.memory_space<vmem>>) semaphore(%run_scoped3A : memref<!tpu.dma_semaphore, #tpu.memory_space<semaphore_mem>>) {add = true}
        %dma_wait3A_372 = arith.constant 0 : i32
        %dma_wait3A_373 = arith.constant 0 : i32
        %dma_wait3A_374 = tpu.memref_slice %arg15[%dma_wait3A_372, %dma_wait3A_373] : memref<10000x128xf32, #tpu.memory_space<vmem_shared>> -> memref<10000x128xf32, #tpu.memory_space<vmem_shared>>
        tpu.wait_indirect_dma semaphore(%run_scoped3A : memref<!tpu.dma_semaphore, #tpu.memory_space<semaphore_mem>>) src(%arg14 : memref<80x128xf32, #tpu.memory_space<vmem>>) dst(%dma_wait3A_374 : memref<10000x128xf32, #tpu.memory_space<vmem_shared>>)
        tpu.yield
      }) : () -> ()
      %add3A_229 = arith.constant 2 : i32
      %add3A_230 = arith.addi %mul3A_90, %add3A_229 : i32
      %add3A_231 = arith.constant 1 : i32
      %add3A_232 = arith.addi %add3A_230, %add3A_231 : i32
      %mul3A_233 = arith.constant 80 : i32
      %mul3A_234 = arith.muli %add3A_232, %mul3A_233 : i32
      %dma_start3A_235 = tpu.memref_slice %arg9[%mul3A_234] : memref<10000xi32, #tpu.memory_space<vmem>> -> memref<80xi32, #tpu.memory_space<vmem>>
      %dma_start3A_236 = arith.constant 0 : i32
      %dma_start3A_237 = arith.constant 0 : i32
      %dma_start3A_238 = tpu.memref_slice %arg2[%dma_start3A_236, %dma_start3A_237] : memref<80000x128xf32, #tpu.memory_space<hbm>> -> memref<80000x128xf32, #tpu.memory_space<hbm>>
      tpu.enqueue_indirect_dma source(%dma_start3A_238 : memref<80000x128xf32, #tpu.memory_space<hbm>>) target(%arg14 : memref<80x128xf32, #tpu.memory_space<vmem>>) offsets(%dma_start3A_235 : memref<80xi32, #tpu.memory_space<vmem>>) semaphore(%arg17 : memref<!tpu.dma_semaphore, #tpu.memory_space<semaphore_mem>>)
      %mul3A_239 = arith.constant 80 : i32
      %mul3A_240 = arith.muli %add3A_230, %mul3A_239 : i32
      %add3A_241 = arith.constant 0 : i32
      %add3A_242 = arith.addi %mul3A_240, %add3A_241 : i32
      %get3A_243 = arith.index_cast %add3A_242 : i32 to index
      %get3A_244 = tpu.vector_load %arg8[%get3A_243] {strides = array<i32>} : memref<10000xi32, #tpu.memory_space<vmem>>, vector<16xi32>,
      %get3A_245 = vector.shape_cast %get3A_244 : vector<16xi32> to vector<16xi32>
      %swap3A_246 = arith.constant 0 : index
      %swap3A_247 = tpu.vector_load %arg11[%swap3A_246] {strides = array<i32>} : memref<80xi32, #tpu.memory_space<vmem>>, vector<16xi32>,
      %swap3A_248 = vector.shape_cast %swap3A_247 : vector<16xi32> to vector<16xi32>
      %swap3A_249 = vector.shape_cast %get3A_245 : vector<16xi32> to vector<16xi32>
      tpu.vector_store %arg11[%swap3A_246], %swap3A_249 {strides = array<i32>} : memref<80xi32, #tpu.memory_space<vmem>>, vector<16xi32>,
      %mul3A_250 = arith.constant 80 : i32
      %mul3A_251 = arith.muli %add3A_230, %mul3A_250 : i32
      %add3A_252 = arith.constant 16 : i32
      %add3A_253 = arith.addi %mul3A_251, %add3A_252 : i32
      %get3A_254 = arith.index_cast %add3A_253 : i32 to index
      %get3A_255 = tpu.vector_load %arg8[%get3A_254] {strides = array<i32>} : memref<10000xi32, #tpu.memory_space<vmem>>, vector<16xi32>,
      %get3A_256 = vector.shape_cast %get3A_255 : vector<16xi32> to vector<16xi32>
      %swap3A_257 = arith.constant 16 : index
      %swap3A_258 = tpu.vector_load %arg11[%swap3A_257] {strides = array<i32>} : memref<80xi32, #tpu.memory_space<vmem>>, vector<16xi32>,
      %swap3A_259 = vector.shape_cast %swap3A_258 : vector<16xi32> to vector<16xi32>
      %swap3A_260 = vector.shape_cast %get3A_256 : vector<16xi32> to vector<16xi32>
      tpu.vector_store %arg11[%swap3A_257], %swap3A_260 {strides = array<i32>} : memref<80xi32, #tpu.memory_space<vmem>>, vector<16xi32>,
      %mul3A_261 = arith.constant 80 : i32
      %mul3A_262 = arith.muli %add3A_230, %mul3A_261 : i32
      %add3A_263 = arith.constant 32 : i32
      %add3A_264 = arith.addi %mul3A_262, %add3A_263 : i32
      %get3A_265 = arith.index_cast %add3A_264 : i32 to index
      %get3A_266 = tpu.vector_load %arg8[%get3A_265] {strides = array<i32>} : memref<10000xi32, #tpu.memory_space<vmem>>, vector<16xi32>,
      %get3A_267 = vector.shape_cast %get3A_266 : vector<16xi32> to vector<16xi32>
      %swap3A_268 = arith.constant 32 : index
      %swap3A_269 = tpu.vector_load %arg11[%swap3A_268] {strides = array<i32>} : memref<80xi32, #tpu.memory_space<vmem>>, vector<16xi32>,
      %swap3A_270 = vector.shape_cast %swap3A_269 : vector<16xi32> to vector<16xi32>
      %swap3A_271 = vector.shape_cast %get3A_267 : vector<16xi32> to vector<16xi32>
      tpu.vector_store %arg11[%swap3A_268], %swap3A_271 {strides = array<i32>} : memref<80xi32, #tpu.memory_space<vmem>>, vector<16xi32>,
      %mul3A_272 = arith.constant 80 : i32
      %mul3A_273 = arith.muli %add3A_230, %mul3A_272 : i32
      %add3A_274 = arith.constant 48 : i32
      %add3A_275 = arith.addi %mul3A_273, %add3A_274 : i32
      %get3A_276 = arith.index_cast %add3A_275 : i32 to index
      %get3A_277 = tpu.vector_load %arg8[%get3A_276] {strides = array<i32>} : memref<10000xi32, #tpu.memory_space<vmem>>, vector<16xi32>,
      %get3A_278 = vector.shape_cast %get3A_277 : vector<16xi32> to vector<16xi32>
      %swap3A_279 = arith.constant 48 : index
      %swap3A_280 = tpu.vector_load %arg11[%swap3A_279] {strides = array<i32>} : memref<80xi32, #tpu.memory_space<vmem>>, vector<16xi32>,
      %swap3A_281 = vector.shape_cast %swap3A_280 : vector<16xi32> to vector<16xi32>
      %swap3A_282 = vector.shape_cast %get3A_278 : vector<16xi32> to vector<16xi32>
      tpu.vector_store %arg11[%swap3A_279], %swap3A_282 {strides = array<i32>} : memref<80xi32, #tpu.memory_space<vmem>>, vector<16xi32>,
      %mul3A_283 = arith.constant 80 : i32
      %mul3A_284 = arith.muli %add3A_230, %mul3A_283 : i32
      %add3A_285 = arith.constant 64 : i32
      %add3A_286 = arith.addi %mul3A_284, %add3A_285 : i32
      %get3A_287 = arith.index_cast %add3A_286 : i32 to index
      %get3A_288 = tpu.vector_load %arg8[%get3A_287] {strides = array<i32>} : memref<10000xi32, #tpu.memory_space<vmem>>, vector<16xi32>,
      %get3A_289 = vector.shape_cast %get3A_288 : vector<16xi32> to vector<16xi32>
      %swap3A_290 = arith.constant 64 : index
      %swap3A_291 = tpu.vector_load %arg11[%swap3A_290] {strides = array<i32>} : memref<80xi32, #tpu.memory_space<vmem>>, vector<16xi32>,
      %swap3A_292 = vector.shape_cast %swap3A_291 : vector<16xi32> to vector<16xi32>
      %swap3A_293 = vector.shape_cast %get3A_289 : vector<16xi32> to vector<16xi32>
      tpu.vector_store %arg11[%swap3A_290], %swap3A_293 {strides = array<i32>} : memref<80xi32, #tpu.memory_space<vmem>>, vector<16xi32>,
      %dma_wait3A_294 = arith.constant 0 : i32
      %dma_wait3A_295 = tpu.memref_slice %arg9[%dma_wait3A_294] : memref<10000xi32, #tpu.memory_space<vmem>> -> memref<80xi32, #tpu.memory_space<vmem>>
      %dma_wait3A_296 = arith.constant 0 : i32
      %dma_wait3A_297 = arith.constant 0 : i32
      %dma_wait3A_298 = tpu.memref_slice %arg2[%dma_wait3A_296, %dma_wait3A_297] : memref<80000x128xf32, #tpu.memory_space<hbm>> -> memref<80000x128xf32, #tpu.memory_space<hbm>>
      tpu.wait_indirect_dma semaphore(%arg16 : memref<!tpu.dma_semaphore, #tpu.memory_space<semaphore_mem>>) src(%dma_wait3A_298 : memref<80000x128xf32, #tpu.memory_space<hbm>>) dst(%arg13 : memref<80x128xf32, #tpu.memory_space<vmem>>)
      "tpu.region"() ({
        %run_scoped3A = tpu.sem_alloc : memref<!tpu.dma_semaphore, #tpu.memory_space<semaphore_mem>>
        %dma_start3A_369 = arith.constant 0 : i32
        %dma_start3A_370 = arith.constant 0 : i32
        %dma_start3A_371 = tpu.memref_slice %arg15[%dma_start3A_369, %dma_start3A_370] : memref<10000x128xf32, #tpu.memory_space<vmem_shared>> -> memref<10000x128xf32, #tpu.memory_space<vmem_shared>>
        tpu.enqueue_indirect_dma source(%arg13 : memref<80x128xf32, #tpu.memory_space<vmem>>) target(%dma_start3A_371 : memref<10000x128xf32, #tpu.memory_space<vmem_shared>>) offsets(%arg11 : memref<80xi32, #tpu.memory_space<vmem>>) semaphore(%run_scoped3A : memref<!tpu.dma_semaphore, #tpu.memory_space<semaphore_mem>>) {add = true}
        %dma_wait3A_372 = arith.constant 0 : i32
        %dma_wait3A_373 = arith.constant 0 : i32
        %dma_wait3A_374 = tpu.memref_slice %arg15[%dma_wait3A_372, %dma_wait3A_373] : memref<10000x128xf32, #tpu.memory_space<vmem_shared>> -> memref<10000x128xf32, #tpu.memory_space<vmem_shared>>
        tpu.wait_indirect_dma semaphore(%run_scoped3A : memref<!tpu.dma_semaphore, #tpu.memory_space<semaphore_mem>>) src(%arg13 : memref<80x128xf32, #tpu.memory_space<vmem>>) dst(%dma_wait3A_374 : memref<10000x128xf32, #tpu.memory_space<vmem_shared>>)
        tpu.yield
      }) : () -> ()
      %add3A_299 = arith.constant 2 : i32
      %add3A_300 = arith.addi %add3A_230, %add3A_299 : i32
      %mul3A_301 = arith.constant 80 : i32
      %mul3A_302 = arith.muli %add3A_300, %mul3A_301 : i32
      %dma_start3A_303 = tpu.memref_slice %arg9[%mul3A_302] : memref<10000xi32, #tpu.memory_space<vmem>> -> memref<80xi32, #tpu.memory_space<vmem>>
      %dma_start3A_304 = arith.constant 0 : i32
      %dma_start3A_305 = arith.constant 0 : i32
      %dma_start3A_306 = tpu.memref_slice %arg2[%dma_start3A_304, %dma_start3A_305] : memref<80000x128xf32, #tpu.memory_space<hbm>> -> memref<80000x128xf32, #tpu.memory_space<hbm>>
      tpu.enqueue_indirect_dma source(%dma_start3A_306 : memref<80000x128xf32, #tpu.memory_space<hbm>>) target(%arg13 : memref<80x128xf32, #tpu.memory_space<vmem>>) offsets(%dma_start3A_303 : memref<80xi32, #tpu.memory_space<vmem>>) semaphore(%arg16 : memref<!tpu.dma_semaphore, #tpu.memory_space<semaphore_mem>>)
      %add3A_307 = arith.constant 1 : i32
      %add3A_308 = arith.addi %add3A_230, %add3A_307 : i32
      %mul3A_309 = arith.constant 80 : i32
      %mul3A_310 = arith.muli %add3A_308, %mul3A_309 : i32
      %add3A_311 = arith.constant 0 : i32
      %add3A_312 = arith.addi %mul3A_310, %add3A_311 : i32
      %get3A_313 = arith.index_cast %add3A_312 : i32 to index
      %get3A_314 = tpu.vector_load %arg8[%get3A_313] {strides = array<i32>} : memref<10000xi32, #tpu.memory_space<vmem>>, vector<16xi32>,
      %get3A_315 = vector.shape_cast %get3A_314 : vector<16xi32> to vector<16xi32>
      %swap3A_316 = arith.constant 0 : index
      %swap3A_317 = tpu.vector_load %arg12[%swap3A_316] {strides = array<i32>} : memref<80xi32, #tpu.memory_space<vmem>>, vector<16xi32>,
      %swap3A_318 = vector.shape_cast %swap3A_317 : vector<16xi32> to vector<16xi32>
      %swap3A_319 = vector.shape_cast %get3A_315 : vector<16xi32> to vector<16xi32>
      tpu.vector_store %arg12[%swap3A_316], %swap3A_319 {strides = array<i32>} : memref<80xi32, #tpu.memory_space<vmem>>, vector<16xi32>,
      %mul3A_320 = arith.constant 80 : i32
      %mul3A_321 = arith.muli %add3A_308, %mul3A_320 : i32
      %add3A_322 = arith.constant 16 : i32
      %add3A_323 = arith.addi %mul3A_321, %add3A_322 : i32
      %get3A_324 = arith.index_cast %add3A_323 : i32 to index
      %get3A_325 = tpu.vector_load %arg8[%get3A_324] {strides = array<i32>} : memref<10000xi32, #tpu.memory_space<vmem>>, vector<16xi32>,
      %get3A_326 = vector.shape_cast %get3A_325 : vector<16xi32> to vector<16xi32>
      %swap3A_327 = arith.constant 16 : index
      %swap3A_328 = tpu.vector_load %arg12[%swap3A_327] {strides = array<i32>} : memref<80xi32, #tpu.memory_space<vmem>>, vector<16xi32>,
      %swap3A_329 = vector.shape_cast %swap3A_328 : vector<16xi32> to vector<16xi32>
      %swap3A_330 = vector.shape_cast %get3A_326 : vector<16xi32> to vector<16xi32>
      tpu.vector_store %arg12[%swap3A_327], %swap3A_330 {strides = array<i32>} : memref<80xi32, #tpu.memory_space<vmem>>, vector<16xi32>,
      %mul3A_331 = arith.constant 80 : i32
      %mul3A_332 = arith.muli %add3A_308, %mul3A_331 : i32
      %add3A_333 = arith.constant 32 : i32
      %add3A_334 = arith.addi %mul3A_332, %add3A_333 : i32
      %get3A_335 = arith.index_cast %add3A_334 : i32 to index
      %get3A_336 = tpu.vector_load %arg8[%get3A_335] {strides = array<i32>} : memref<10000xi32, #tpu.memory_space<vmem>>, vector<16xi32>,
      %get3A_337 = vector.shape_cast %get3A_336 : vector<16xi32> to vector<16xi32>
      %swap3A_338 = arith.constant 32 : index
      %swap3A_339 = tpu.vector_load %arg12[%swap3A_338] {strides = array<i32>} : memref<80xi32, #tpu.memory_space<vmem>>, vector<16xi32>,
      %swap3A_340 = vector.shape_cast %swap3A_339 : vector<16xi32> to vector<16xi32>
      %swap3A_341 = vector.shape_cast %get3A_337 : vector<16xi32> to vector<16xi32>
      tpu.vector_store %arg12[%swap3A_338], %swap3A_341 {strides = array<i32>} : memref<80xi32, #tpu.memory_space<vmem>>, vector<16xi32>,
      %mul3A_342 = arith.constant 80 : i32
      %mul3A_343 = arith.muli %add3A_308, %mul3A_342 : i32
      %add3A_344 = arith.constant 48 : i32
      %add3A_345 = arith.addi %mul3A_343, %add3A_344 : i32
      %get3A_346 = arith.index_cast %add3A_345 : i32 to index
      %get3A_347 = tpu.vector_load %arg8[%get3A_346] {strides = array<i32>} : memref<10000xi32, #tpu.memory_space<vmem>>, vector<16xi32>,
      %get3A_348 = vector.shape_cast %get3A_347 : vector<16xi32> to vector<16xi32>
      %swap3A_349 = arith.constant 48 : index
      %swap3A_350 = tpu.vector_load %arg12[%swap3A_349] {strides = array<i32>} : memref<80xi32, #tpu.memory_space<vmem>>, vector<16xi32>,
      %swap3A_351 = vector.shape_cast %swap3A_350 : vector<16xi32> to vector<16xi32>
      %swap3A_352 = vector.shape_cast %get3A_348 : vector<16xi32> to vector<16xi32>
      tpu.vector_store %arg12[%swap3A_349], %swap3A_352 {strides = array<i32>} : memref<80xi32, #tpu.memory_space<vmem>>, vector<16xi32>,
      %mul3A_353 = arith.constant 80 : i32
      %mul3A_354 = arith.muli %add3A_308, %mul3A_353 : i32
      %add3A_355 = arith.constant 64 : i32
      %add3A_356 = arith.addi %mul3A_354, %add3A_355 : i32
      %get3A_357 = arith.index_cast %add3A_356 : i32 to index
      %get3A_358 = tpu.vector_load %arg8[%get3A_357] {strides = array<i32>} : memref<10000xi32, #tpu.memory_space<vmem>>, vector<16xi32>,
      %get3A_359 = vector.shape_cast %get3A_358 : vector<16xi32> to vector<16xi32>
      %swap3A_360 = arith.constant 64 : index
      %swap3A_361 = tpu.vector_load %arg12[%swap3A_360] {strides = array<i32>} : memref<80xi32, #tpu.memory_space<vmem>>, vector<16xi32>,
      %swap3A_362 = vector.shape_cast %swap3A_361 : vector<16xi32> to vector<16xi32>
      %swap3A_363 = vector.shape_cast %get3A_359 : vector<16xi32> to vector<16xi32>
      tpu.vector_store %arg12[%swap3A_360], %swap3A_363 {strides = array<i32>} : memref<80xi32, #tpu.memory_space<vmem>>, vector<16xi32>,
      %dma_wait3A_364 = arith.constant 0 : i32
      %dma_wait3A_365 = tpu.memref_slice %arg9[%dma_wait3A_364] : memref<10000xi32, #tpu.memory_space<vmem>> -> memref<80xi32, #tpu.memory_space<vmem>>
      %dma_wait3A_366 = arith.constant 0 : i32
      %dma_wait3A_367 = arith.constant 0 : i32
      %dma_wait3A_368 = tpu.memref_slice %arg2[%dma_wait3A_366, %dma_wait3A_367] : memref<80000x128xf32, #tpu.memory_space<hbm>> -> memref<80000x128xf32, #tpu.memory_space<hbm>>
      tpu.wait_indirect_dma semaphore(%arg17 : memref<!tpu.dma_semaphore, #tpu.memory_space<semaphore_mem>>) src(%dma_wait3A_368 : memref<80000x128xf32, #tpu.memory_space<hbm>>) dst(%arg14 : memref<80x128xf32, #tpu.memory_space<vmem>>)
      "tpu.region"() ({
        %run_scoped3A = tpu.sem_alloc : memref<!tpu.dma_semaphore, #tpu.memory_space<semaphore_mem>>
        %dma_start3A_369 = arith.constant 0 : i32
        %dma_start3A_370 = arith.constant 0 : i32
        %dma_start3A_371 = tpu.memref_slice %arg15[%dma_start3A_369, %dma_start3A_370] : memref<10000x128xf32, #tpu.memory_space<vmem_shared>> -> memref<10000x128xf32, #tpu.memory_space<vmem_shared>>
        tpu.enqueue_indirect_dma source(%arg14 : memref<80x128xf32, #tpu.memory_space<vmem>>) target(%dma_start3A_371 : memref<10000x128xf32, #tpu.memory_space<vmem_shared>>) offsets(%arg12 : memref<80xi32, #tpu.memory_space<vmem>>) semaphore(%run_scoped3A : memref<!tpu.dma_semaphore, #tpu.memory_space<semaphore_mem>>) {add = true}
        %dma_wait3A_372 = arith.constant 0 : i32
        %dma_wait3A_373 = arith.constant 0 : i32
        %dma_wait3A_374 = tpu.memref_slice %arg15[%dma_wait3A_372, %dma_wait3A_373] : memref<10000x128xf32, #tpu.memory_space<vmem_shared>> -> memref<10000x128xf32, #tpu.memory_space<vmem_shared>>
        tpu.wait_indirect_dma semaphore(%run_scoped3A : memref<!tpu.dma_semaphore, #tpu.memory_space<semaphore_mem>>) src(%arg14 : memref<80x128xf32, #tpu.memory_space<vmem>>) dst(%dma_wait3A_374 : memref<10000x128xf32, #tpu.memory_space<vmem_shared>>)
        tpu.yield
      }) : () -> ()
    }
    %scan3A_39 = arith.constant 31 : i32
    %get3A = arith.constant 9920 : index
    %get3A_40 = tpu.vector_load %arg8[%get3A] {strides = array<i32>} : memref<10000xi32, #tpu.memory_space<vmem>>, vector<16xi32>,
    %get3A_41 = vector.shape_cast %get3A_40 : vector<16xi32> to vector<16xi32>
    %swap3A = arith.constant 0 : index
    %swap3A_42 = tpu.vector_load %arg11[%swap3A] {strides = array<i32>} : memref<80xi32, #tpu.memory_space<vmem>>, vector<16xi32>,
    %swap3A_43 = vector.shape_cast %swap3A_42 : vector<16xi32> to vector<16xi32>
    %swap3A_44 = vector.shape_cast %get3A_41 : vector<16xi32> to vector<16xi32>
    tpu.vector_store %arg11[%swap3A], %swap3A_44 {strides = array<i32>} : memref<80xi32, #tpu.memory_space<vmem>>, vector<16xi32>,
    %get3A_45 = arith.constant 9936 : index
    %get3A_46 = tpu.vector_load %arg8[%get3A_45] {strides = array<i32>} : memref<10000xi32, #tpu.memory_space<vmem>>, vector<16xi32>,
    %get3A_47 = vector.shape_cast %get3A_46 : vector<16xi32> to vector<16xi32>
    %swap3A_48 = arith.constant 16 : index
    %swap3A_49 = tpu.vector_load %arg11[%swap3A_48] {strides = array<i32>} : memref<80xi32, #tpu.memory_space<vmem>>, vector<16xi32>,
    %swap3A_50 = vector.shape_cast %swap3A_49 : vector<16xi32> to vector<16xi32>
    %swap3A_51 = vector.shape_cast %get3A_47 : vector<16xi32> to vector<16xi32>
    tpu.vector_store %arg11[%swap3A_48], %swap3A_51 {strides = array<i32>} : memref<80xi32, #tpu.memory_space<vmem>>, vector<16xi32>,
    %get3A_52 = arith.constant 9952 : index
    %get3A_53 = tpu.vector_load %arg8[%get3A_52] {strides = array<i32>} : memref<10000xi32, #tpu.memory_space<vmem>>, vector<16xi32>,
    %get3A_54 = vector.shape_cast %get3A_53 : vector<16xi32> to vector<16xi32>
    %swap3A_55 = arith.constant 32 : index
    %swap3A_56 = tpu.vector_load %arg11[%swap3A_55] {strides = array<i32>} : memref<80xi32, #tpu.memory_space<vmem>>, vector<16xi32>,
    %swap3A_57 = vector.shape_cast %swap3A_56 : vector<16xi32> to vector<16xi32>
    %swap3A_58 = vector.shape_cast %get3A_54 : vector<16xi32> to vector<16xi32>
    tpu.vector_store %arg11[%swap3A_55], %swap3A_58 {strides = array<i32>} : memref<80xi32, #tpu.memory_space<vmem>>, vector<16xi32>,
    %get3A_59 = arith.constant 9968 : index
    %get3A_60 = tpu.vector_load %arg8[%get3A_59] {strides = array<i32>} : memref<10000xi32, #tpu.memory_space<vmem>>, vector<16xi32>,
    %get3A_61 = vector.shape_cast %get3A_60 : vector<16xi32> to vector<16xi32>
    %swap3A_62 = arith.constant 48 : index
    %swap3A_63 = tpu.vector_load %arg11[%swap3A_62] {strides = array<i32>} : memref<80xi32, #tpu.memory_space<vmem>>, vector<16xi32>,
    %swap3A_64 = vector.shape_cast %swap3A_63 : vector<16xi32> to vector<16xi32>
    %swap3A_65 = vector.shape_cast %get3A_61 : vector<16xi32> to vector<16xi32>
    tpu.vector_store %arg11[%swap3A_62], %swap3A_65 {strides = array<i32>} : memref<80xi32, #tpu.memory_space<vmem>>, vector<16xi32>,
    %get3A_66 = arith.constant 9984 : index
    %get3A_67 = tpu.vector_load %arg8[%get3A_66] {strides = array<i32>} : memref<10000xi32, #tpu.memory_space<vmem>>, vector<16xi32>,
    %get3A_68 = vector.shape_cast %get3A_67 : vector<16xi32> to vector<16xi32>
    %swap3A_69 = arith.constant 64 : index
    %swap3A_70 = tpu.vector_load %arg11[%swap3A_69] {strides = array<i32>} : memref<80xi32, #tpu.memory_space<vmem>>, vector<16xi32>,
    %swap3A_71 = vector.shape_cast %swap3A_70 : vector<16xi32> to vector<16xi32>
    %swap3A_72 = vector.shape_cast %get3A_68 : vector<16xi32> to vector<16xi32>
    tpu.vector_store %arg11[%swap3A_69], %swap3A_72 {strides = array<i32>} : memref<80xi32, #tpu.memory_space<vmem>>, vector<16xi32>,
    %dma_wait3A_73 = arith.constant 0 : i32
    %dma_wait3A_74 = tpu.memref_slice %arg9[%dma_wait3A_73] : memref<10000xi32, #tpu.memory_space<vmem>> -> memref<80xi32, #tpu.memory_space<vmem>>
    %dma_wait3A_75 = arith.constant 0 : i32
    %dma_wait3A_76 = arith.constant 0 : i32
    %dma_wait3A_77 = tpu.memref_slice %arg2[%dma_wait3A_75, %dma_wait3A_76] : memref<80000x128xf32, #tpu.memory_space<hbm>> -> memref<80000x128xf32, #tpu.memory_space<hbm>>
    tpu.wait_indirect_dma semaphore(%arg16 : memref<!tpu.dma_semaphore, #tpu.memory_space<semaphore_mem>>) src(%dma_wait3A_77 : memref<80000x128xf32, #tpu.memory_space<hbm>>) dst(%arg13 : memref<80x128xf32, #tpu.memory_space<vmem>>)
    "tpu.region"() ({
      %run_scoped3A = tpu.sem_alloc : memref<!tpu.dma_semaphore, #tpu.memory_space<semaphore_mem>>
      %dma_start3A_88 = arith.constant 0 : i32
      %dma_start3A_89 = arith.constant 0 : i32
      %dma_start3A_90 = tpu.memref_slice %arg15[%dma_start3A_88, %dma_start3A_89] : memref<10000x128xf32, #tpu.memory_space<vmem_shared>> -> memref<10000x128xf32, #tpu.memory_space<vmem_shared>>
      tpu.enqueue_indirect_dma source(%arg13 : memref<80x128xf32, #tpu.memory_space<vmem>>) target(%dma_start3A_90 : memref<10000x128xf32, #tpu.memory_space<vmem_shared>>) offsets(%arg11 : memref<80xi32, #tpu.memory_space<vmem>>) semaphore(%run_scoped3A : memref<!tpu.dma_semaphore, #tpu.memory_space<semaphore_mem>>) {add = true}
      %dma_wait3A_91 = arith.constant 0 : i32
      %dma_wait3A_92 = arith.constant 0 : i32
      %dma_wait3A_93 = tpu.memref_slice %arg15[%dma_wait3A_91, %dma_wait3A_92] : memref<10000x128xf32, #tpu.memory_space<vmem_shared>> -> memref<10000x128xf32, #tpu.memory_space<vmem_shared>>
      tpu.wait_indirect_dma semaphore(%run_scoped3A : memref<!tpu.dma_semaphore, #tpu.memory_space<semaphore_mem>>) src(%arg13 : memref<80x128xf32, #tpu.memory_space<vmem>>) dst(%dma_wait3A_93 : memref<10000x128xf32, #tpu.memory_space<vmem_shared>>)
      tpu.yield
    }) : () -> ()
    %barrier3A_78 = arith.constant 0 : index
    tpu.barrier barrier_id(%barrier3A_78)
    %mul3A_79 = arith.constant 624 : i32
    %mul3A_80 = arith.muli %arg1, %mul3A_79 : i32
    %mul3A_81 = arith.constant 624 : i32
    %mul3A_82 = arith.muli %arg1, %mul3A_81 : i32
    "tpu.region"() ({
      %run_scoped3A = tpu.sem_alloc : memref<!tpu.dma_semaphore, #tpu.memory_space<semaphore_mem>>
      %dma_start3A_88 = arith.constant 0 : i32
      %dma_start3A_89 = arith.constant 0 : i32
      %dma_start3A_90 = tpu.memref_slice %arg7[%arg0, %dma_start3A_88, %dma_start3A_89] : memref<2x10000x128xf32, #tpu.memory_space<hbm>> -> memref<1x10000x128xf32, #tpu.memory_space<hbm>>
      %dma_start3A_91 = tpu.memref_squeeze %dma_start3A_90 : memref<1x10000x128xf32, #tpu.memory_space<hbm>> -> memref<10000x128xf32, #tpu.memory_space<hbm>>
      %dma_start3A_92 = arith.constant 0 : i32
      %dma_start3A_93 = tpu.memref_slice %dma_start3A_91[%mul3A_82, %dma_start3A_92] : memref<10000x128xf32, #tpu.memory_space<hbm>> -> memref<624x128xf32, #tpu.memory_space<hbm>>
      %dma_start3A_94 = arith.constant 0 : i32
      %dma_start3A_95 = tpu.memref_slice %arg15[%mul3A_80, %dma_start3A_94] : memref<10000x128xf32, #tpu.memory_space<vmem_shared>> -> memref<624x128xf32, #tpu.memory_space<vmem_shared>>
      tpu.enqueue_dma source(%dma_start3A_95 : memref<624x128xf32, #tpu.memory_space<vmem_shared>>) target(%dma_start3A_93 : memref<624x128xf32, #tpu.memory_space<hbm>>) target_semaphore(%run_scoped3A : memref<!tpu.dma_semaphore, #tpu.memory_space<semaphore_mem>>)
      %dma_wait3A_96 = arith.constant 0 : i32
      %dma_wait3A_97 = arith.constant 0 : i32
      %dma_wait3A_98 = tpu.memref_slice %arg7[%arg0, %dma_wait3A_96, %dma_wait3A_97] : memref<2x10000x128xf32, #tpu.memory_space<hbm>> -> memref<1x10000x128xf32, #tpu.memory_space<hbm>>
      %dma_wait3A_99 = tpu.memref_squeeze %dma_wait3A_98 : memref<1x10000x128xf32, #tpu.memory_space<hbm>> -> memref<10000x128xf32, #tpu.memory_space<hbm>>
      %dma_wait3A_100 = arith.constant 0 : i32
      %dma_wait3A_101 = tpu.memref_slice %dma_wait3A_99[%mul3A_82, %dma_wait3A_100] : memref<10000x128xf32, #tpu.memory_space<hbm>> -> memref<624x128xf32, #tpu.memory_space<hbm>>
      %dma_wait3A_102 = arith.constant 0 : i32
      %dma_wait3A_103 = tpu.memref_slice %arg15[%mul3A_80, %dma_wait3A_102] : memref<10000x128xf32, #tpu.memory_space<vmem_shared>> -> memref<624x128xf32, #tpu.memory_space<vmem_shared>>
      tpu.wait_dma2 semaphore(%run_scoped3A : memref<!tpu.dma_semaphore, #tpu.memory_space<semaphore_mem>>) src(%dma_wait3A_103 : memref<624x128xf32, #tpu.memory_space<vmem_shared>>) dst(%dma_wait3A_101 : memref<624x128xf32, #tpu.memory_space<hbm>>)
      tpu.yield
    }) : () -> ()
    %eq3A_83 = arith.constant 0 : i32
    %eq3A_84 = arith.cmpi eq, %arg1, %eq3A_83 : i32
    %convert_element_type3A_85 = arith.extui %eq3A_84 : i1 to i32
    %cond3A_86 = arith.constant 0 : i32
    %cond3A_87 = arith.cmpi ne, %convert_element_type3A_85, %cond3A_86 : i32
    scf.if %cond3A_87 {
      "tpu.region"() ({
        %run_scoped3A = tpu.sem_alloc : memref<!tpu.dma_semaphore, #tpu.memory_space<semaphore_mem>>
        %dma_start3A_88 = arith.constant 0 : i32
        %dma_start3A_89 = arith.constant 0 : i32
        %dma_start3A_90 = tpu.memref_slice %arg7[%arg0, %dma_start3A_88, %dma_start3A_89] : memref<2x10000x128xf32, #tpu.memory_space<hbm>> -> memref<1x10000x128xf32, #tpu.memory_space<hbm>>
        %dma_start3A_91 = tpu.memref_squeeze %dma_start3A_90 : memref<1x10000x128xf32, #tpu.memory_space<hbm>> -> memref<10000x128xf32, #tpu.memory_space<hbm>>
        %dma_start3A_92 = arith.constant 9984 : i32
        %dma_start3A_93 = arith.constant 0 : i32
        %dma_start3A_94 = tpu.memref_slice %dma_start3A_91[%dma_start3A_92, %dma_start3A_93] : memref<10000x128xf32, #tpu.memory_space<hbm>> -> memref<16x128xf32, #tpu.memory_space<hbm>>
        %dma_start3A_95 = arith.constant 9984 : i32
        %dma_start3A_96 = arith.constant 0 : i32
        %dma_start3A_97 = tpu.memref_slice %arg15[%dma_start3A_95, %dma_start3A_96] : memref<10000x128xf32, #tpu.memory_space<vmem_shared>> -> memref<16x128xf32, #tpu.memory_space<vmem_shared>>
        tpu.enqueue_dma source(%dma_start3A_97 : memref<16x128xf32, #tpu.memory_space<vmem_shared>>) target(%dma_start3A_94 : memref<16x128xf32, #tpu.memory_space<hbm>>) target_semaphore(%run_scoped3A : memref<!tpu.dma_semaphore, #tpu.memory_space<semaphore_mem>>)
        %dma_wait3A_98 = arith.constant 0 : i32
        %dma_wait3A_99 = arith.constant 0 : i32
        %dma_wait3A_100 = tpu.memref_slice %arg7[%arg0, %dma_wait3A_98, %dma_wait3A_99] : memref<2x10000x128xf32, #tpu.memory_space<hbm>> -> memref<1x10000x128xf32, #tpu.memory_space<hbm>>
        %dma_wait3A_101 = tpu.memref_squeeze %dma_wait3A_100 : memref<1x10000x128xf32, #tpu.memory_space<hbm>> -> memref<10000x128xf32, #tpu.memory_space<hbm>>
        %dma_wait3A_102 = arith.constant 9984 : i32
        %dma_wait3A_103 = arith.constant 0 : i32
        %dma_wait3A_104 = tpu.memref_slice %dma_wait3A_101[%dma_wait3A_102, %dma_wait3A_103] : memref<10000x128xf32, #tpu.memory_space<hbm>> -> memref<16x128xf32, #tpu.memory_space<hbm>>
        %dma_wait3A_105 = arith.constant 9984 : i32
        %dma_wait3A_106 = arith.constant 0 : i32
        %dma_wait3A_107 = tpu.memref_slice %arg15[%dma_wait3A_105, %dma_wait3A_106] : memref<10000x128xf32, #tpu.memory_space<vmem_shared>> -> memref<16x128xf32, #tpu.memory_space<vmem_shared>>
        tpu.wait_dma2 semaphore(%run_scoped3A : memref<!tpu.dma_semaphore, #tpu.memory_space<semaphore_mem>>) src(%dma_wait3A_107 : memref<16x128xf32, #tpu.memory_space<vmem_shared>>) dst(%dma_wait3A_104 : memref<16x128xf32, #tpu.memory_space<hbm>>)
        tpu.yield
      }) : () -> ()
    } else {
    }
    return
  }
}

module attributes {stable_mosaic.version = 14 : i64} {
  func.func @_split_body(%arg0: memref<2x320000xi32, #tpu.memory_space<vmem>>, %arg1: memref<320000xi32, #tpu.memory_space<vmem>>, %arg2: memref<320000xi32, #tpu.memory_space<vmem>>) attributes {dimension_semantics = [], scalar_prefetch = 0 : i64, scratch_operands = 0 : i64, tpu.core_type = #tpu.core_type<tc>} {
    %get3A = arith.constant 0 : index
    %get3A_0 = arith.constant 0 : index
    %get3A_1 = vector.load %arg0[%get3A, %get3A_0] : memref<2x320000xi32, #tpu.memory_space<vmem>>, vector<1x320000xi32>
    %get3A_2 = vector.shape_cast %get3A_1 : vector<1x320000xi32> to vector<320000xi32>
    %swap3A = arith.constant 0 : index
    %swap3A_3 = vector.load %arg1[%swap3A] : memref<320000xi32, #tpu.memory_space<vmem>>, vector<320000xi32>
    tpu.vector_store %arg1[%swap3A], %get3A_2 {strides = array<i32>} : memref<320000xi32, #tpu.memory_space<vmem>>, vector<320000xi32>,
    %get3A_4 = arith.constant 1 : index
    %get3A_5 = arith.constant 0 : index
    %get3A_6 = vector.load %arg0[%get3A_4, %get3A_5] : memref<2x320000xi32, #tpu.memory_space<vmem>>, vector<1x320000xi32>
    %get3A_7 = vector.shape_cast %get3A_6 : vector<1x320000xi32> to vector<320000xi32>
    %swap3A_8 = arith.constant 0 : index
    %swap3A_9 = vector.load %arg2[%swap3A_8] : memref<320000xi32, #tpu.memory_space<vmem>>, vector<320000xi32>
    tpu.vector_store %arg2[%swap3A_8], %get3A_7 {strides = array<i32>} : memref<320000xi32, #tpu.memory_space<vmem>>, vector<320000xi32>,
    return
  }
}

module attributes {stable_mosaic.version = 14 : i64} {
  func.func @_z_body(%arg0: i32, %arg1: memref<8x4xf32, #tpu.memory_space<vmem>>, %arg2: memref<4x128x128xf32, #tpu.memory_space<vmem>>, %arg3: memref<2000x128xf32, #tpu.memory_space<vmem>>, %arg4: memref<8x2000x128xf32, #tpu.memory_space<vmem>>) attributes {dimension_semantics = [#tpu.dimension_semantics<arbitrary>], iteration_bounds = array<i64: 5>, scalar_prefetch = 0 : i64, scratch_operands = 0 : i64, tpu.core_type = #tpu.core_type<tc>, window_params = [{pipeline_mode = #tpu.pipeline_mode<synchronous>, transform_indices = @transform_0, window_bounds = array<i64: 8, 4>}, {pipeline_mode = #tpu.pipeline_mode<synchronous>, transform_indices = @transform_1, window_bounds = array<i64: 4, 128, 128>}, {transform_indices = @transform_2, window_bounds = array<i64: 2000, 128>}, {transform_indices = @transform_3, window_bounds = array<i64: 8, 2000, 128>}]} {
    %get3A = arith.constant 0 : index
    %get3A_0 = arith.constant 0 : index
    %get3A_1 = vector.load %arg3[%get3A, %get3A_0] : memref<2000x128xf32, #tpu.memory_space<vmem>>, vector<2000x128xf32>
    %get3A_2 = arith.constant 0 : index
    %get3A_3 = arith.constant 0 : index
    %get3A_4 = vector.load %arg1[%get3A_2, %get3A_3] : memref<8x4xf32, #tpu.memory_space<vmem>>, vector<1x1xf32>
    %get3A_5 = vector.extract %get3A_4[0, 0] : f32 from vector<1x1xf32>
    %get3A_6 = arith.constant 0 : index
    %get3A_7 = arith.constant 0 : index
    %get3A_8 = arith.constant 0 : index
    %get3A_9 = vector.load %arg2[%get3A_6, %get3A_7, %get3A_8] : memref<4x128x128xf32, #tpu.memory_space<vmem>>, vector<1x128x128xf32>
    %get3A_10 = vector.shape_cast %get3A_9 : vector<1x128x128xf32> to vector<128x128xf32>
    %mul3A = vector.broadcast %get3A_5 : f32 to vector<128x128xf32>
    %mul3A_11 = arith.mulf %mul3A, %get3A_10 : vector<128x128xf32>
    %get3A_12 = arith.constant 0 : index
    %get3A_13 = arith.constant 1 : index
    %get3A_14 = vector.load %arg1[%get3A_12, %get3A_13] : memref<8x4xf32, #tpu.memory_space<vmem>>, vector<1x1xf32>
    %get3A_15 = vector.extract %get3A_14[0, 0] : f32 from vector<1x1xf32>
    %get3A_16 = arith.constant 1 : index
    %get3A_17 = arith.constant 0 : index
    %get3A_18 = arith.constant 0 : index
    %get3A_19 = vector.load %arg2[%get3A_16, %get3A_17, %get3A_18] : memref<4x128x128xf32, #tpu.memory_space<vmem>>, vector<1x128x128xf32>
    %get3A_20 = vector.shape_cast %get3A_19 : vector<1x128x128xf32> to vector<128x128xf32>
    %mul3A_21 = vector.broadcast %get3A_15 : f32 to vector<128x128xf32>
    %mul3A_22 = arith.mulf %mul3A_21, %get3A_20 : vector<128x128xf32>
    %add3A = arith.addf %mul3A_11, %mul3A_22 : vector<128x128xf32>
    %get3A_23 = arith.constant 0 : index
    %get3A_24 = arith.constant 2 : index
    %get3A_25 = vector.load %arg1[%get3A_23, %get3A_24] : memref<8x4xf32, #tpu.memory_space<vmem>>, vector<1x1xf32>
    %get3A_26 = vector.extract %get3A_25[0, 0] : f32 from vector<1x1xf32>
    %get3A_27 = arith.constant 2 : index
    %get3A_28 = arith.constant 0 : index
    %get3A_29 = arith.constant 0 : index
    %get3A_30 = vector.load %arg2[%get3A_27, %get3A_28, %get3A_29] : memref<4x128x128xf32, #tpu.memory_space<vmem>>, vector<1x128x128xf32>
    %get3A_31 = vector.shape_cast %get3A_30 : vector<1x128x128xf32> to vector<128x128xf32>
    %mul3A_32 = vector.broadcast %get3A_26 : f32 to vector<128x128xf32>
    %mul3A_33 = arith.mulf %mul3A_32, %get3A_31 : vector<128x128xf32>
    %add3A_34 = arith.addf %add3A, %mul3A_33 : vector<128x128xf32>
    %get3A_35 = arith.constant 0 : index
    %get3A_36 = arith.constant 3 : index
    %get3A_37 = vector.load %arg1[%get3A_35, %get3A_36] : memref<8x4xf32, #tpu.memory_space<vmem>>, vector<1x1xf32>
    %get3A_38 = vector.extract %get3A_37[0, 0] : f32 from vector<1x1xf32>
    %get3A_39 = arith.constant 3 : index
    %get3A_40 = arith.constant 0 : index
    %get3A_41 = arith.constant 0 : index
    %get3A_42 = vector.load %arg2[%get3A_39, %get3A_40, %get3A_41] : memref<4x128x128xf32, #tpu.memory_space<vmem>>, vector<1x128x128xf32>
    %get3A_43 = vector.shape_cast %get3A_42 : vector<1x128x128xf32> to vector<128x128xf32>
    %mul3A_44 = vector.broadcast %get3A_38 : f32 to vector<128x128xf32>
    %mul3A_45 = arith.mulf %mul3A_44, %get3A_43 : vector<128x128xf32>
    %add3A_46 = arith.addf %add3A_34, %mul3A_45 : vector<128x128xf32>
    %dot_general3A = arith.constant dense<0.000000e+00> : vector<2000x128xf32>
    %dot_general3A_47 = tpu.matmul %get3A_1, %add3A_46, %dot_general3A {dimension_numbers = #tpu.dot_dimension_numbers<[1], [0], [0], [1], [0, 0, 1, 1], [], []>, transpose_lhs_hint = false} : vector<2000x128xf32>, vector<128x128xf32>, vector<2000x128xf32> -> vector<2000x128xf32>
    %swap3A = arith.constant 0 : index
    %swap3A_48 = arith.constant 0 : index
    %swap3A_49 = arith.constant 0 : index
    %swap3A_50 = vector.load %arg4[%swap3A, %swap3A_48, %swap3A_49] : memref<8x2000x128xf32, #tpu.memory_space<vmem>>, vector<1x2000x128xf32>
    %swap3A_51 = vector.shape_cast %swap3A_50 : vector<1x2000x128xf32> to vector<2000x128xf32>
    %swap3A_52 = vector.shape_cast %dot_general3A_47 : vector<2000x128xf32> to vector<1x2000x128xf32>
    tpu.vector_store %arg4[%swap3A, %swap3A_48, %swap3A_49], %swap3A_52 {strides = array<i32>} : memref<8x2000x128xf32, #tpu.memory_space<vmem>>, vector<1x2000x128xf32>,
    %get3A_53 = arith.constant 1 : index
    %get3A_54 = arith.constant 0 : index
    %get3A_55 = vector.load %arg1[%get3A_53, %get3A_54] : memref<8x4xf32, #tpu.memory_space<vmem>>, vector<1x1xf32>
    %get3A_56 = vector.extract %get3A_55[0, 0] : f32 from vector<1x1xf32>
    %get3A_57 = arith.constant 0 : index
    %get3A_58 = arith.constant 0 : index
    %get3A_59 = arith.constant 0 : index
    %get3A_60 = vector.load %arg2[%get3A_57, %get3A_58, %get3A_59] : memref<4x128x128xf32, #tpu.memory_space<vmem>>, vector<1x128x128xf32>
    %get3A_61 = vector.shape_cast %get3A_60 : vector<1x128x128xf32> to vector<128x128xf32>
    %mul3A_62 = vector.broadcast %get3A_56 : f32 to vector<128x128xf32>
    %mul3A_63 = arith.mulf %mul3A_62, %get3A_61 : vector<128x128xf32>
    %get3A_64 = arith.constant 1 : index
    %get3A_65 = arith.constant 1 : index
    %get3A_66 = vector.load %arg1[%get3A_64, %get3A_65] : memref<8x4xf32, #tpu.memory_space<vmem>>, vector<1x1xf32>
    %get3A_67 = vector.extract %get3A_66[0, 0] : f32 from vector<1x1xf32>
    %get3A_68 = arith.constant 1 : index
    %get3A_69 = arith.constant 0 : index
    %get3A_70 = arith.constant 0 : index
    %get3A_71 = vector.load %arg2[%get3A_68, %get3A_69, %get3A_70] : memref<4x128x128xf32, #tpu.memory_space<vmem>>, vector<1x128x128xf32>
    %get3A_72 = vector.shape_cast %get3A_71 : vector<1x128x128xf32> to vector<128x128xf32>
    %mul3A_73 = vector.broadcast %get3A_67 : f32 to vector<128x128xf32>
    %mul3A_74 = arith.mulf %mul3A_73, %get3A_72 : vector<128x128xf32>
    %add3A_75 = arith.addf %mul3A_63, %mul3A_74 : vector<128x128xf32>
    %get3A_76 = arith.constant 1 : index
    %get3A_77 = arith.constant 2 : index
    %get3A_78 = vector.load %arg1[%get3A_76, %get3A_77] : memref<8x4xf32, #tpu.memory_space<vmem>>, vector<1x1xf32>
    %get3A_79 = vector.extract %get3A_78[0, 0] : f32 from vector<1x1xf32>
    %get3A_80 = arith.constant 2 : index
    %get3A_81 = arith.constant 0 : index
    %get3A_82 = arith.constant 0 : index
    %get3A_83 = vector.load %arg2[%get3A_80, %get3A_81, %get3A_82] : memref<4x128x128xf32, #tpu.memory_space<vmem>>, vector<1x128x128xf32>
    %get3A_84 = vector.shape_cast %get3A_83 : vector<1x128x128xf32> to vector<128x128xf32>
    %mul3A_85 = vector.broadcast %get3A_79 : f32 to vector<128x128xf32>
    %mul3A_86 = arith.mulf %mul3A_85, %get3A_84 : vector<128x128xf32>
    %add3A_87 = arith.addf %add3A_75, %mul3A_86 : vector<128x128xf32>
    %get3A_88 = arith.constant 1 : index
    %get3A_89 = arith.constant 3 : index
    %get3A_90 = vector.load %arg1[%get3A_88, %get3A_89] : memref<8x4xf32, #tpu.memory_space<vmem>>, vector<1x1xf32>
    %get3A_91 = vector.extract %get3A_90[0, 0] : f32 from vector<1x1xf32>
    %get3A_92 = arith.constant 3 : index
    %get3A_93 = arith.constant 0 : index
    %get3A_94 = arith.constant 0 : index
    %get3A_95 = vector.load %arg2[%get3A_92, %get3A_93, %get3A_94] : memref<4x128x128xf32, #tpu.memory_space<vmem>>, vector<1x128x128xf32>
    %get3A_96 = vector.shape_cast %get3A_95 : vector<1x128x128xf32> to vector<128x128xf32>
    %mul3A_97 = vector.broadcast %get3A_91 : f32 to vector<128x128xf32>
    %mul3A_98 = arith.mulf %mul3A_97, %get3A_96 : vector<128x128xf32>
    %add3A_99 = arith.addf %add3A_87, %mul3A_98 : vector<128x128xf32>
    %dot_general3A_100 = arith.constant dense<0.000000e+00> : vector<2000x128xf32>
    %dot_general3A_101 = tpu.matmul %get3A_1, %add3A_99, %dot_general3A_100 {dimension_numbers = #tpu.dot_dimension_numbers<[1], [0], [0], [1], [0, 0, 1, 1], [], []>, transpose_lhs_hint = false} : vector<2000x128xf32>, vector<128x128xf32>, vector<2000x128xf32> -> vector<2000x128xf32>
    %swap3A_102 = arith.constant 1 : index
    %swap3A_103 = arith.constant 0 : index
    %swap3A_104 = arith.constant 0 : index
    %swap3A_105 = vector.load %arg4[%swap3A_102, %swap3A_103, %swap3A_104] : memref<8x2000x128xf32, #tpu.memory_space<vmem>>, vector<1x2000x128xf32>
    %swap3A_106 = vector.shape_cast %swap3A_105 : vector<1x2000x128xf32> to vector<2000x128xf32>
    %swap3A_107 = vector.shape_cast %dot_general3A_101 : vector<2000x128xf32> to vector<1x2000x128xf32>
    tpu.vector_store %arg4[%swap3A_102, %swap3A_103, %swap3A_104], %swap3A_107 {strides = array<i32>} : memref<8x2000x128xf32, #tpu.memory_space<vmem>>, vector<1x2000x128xf32>,
    %get3A_108 = arith.constant 2 : index
    %get3A_109 = arith.constant 0 : index
    %get3A_110 = vector.load %arg1[%get3A_108, %get3A_109] : memref<8x4xf32, #tpu.memory_space<vmem>>, vector<1x1xf32>
    %get3A_111 = vector.extract %get3A_110[0, 0] : f32 from vector<1x1xf32>
    %get3A_112 = arith.constant 0 : index
    %get3A_113 = arith.constant 0 : index
    %get3A_114 = arith.constant 0 : index
    %get3A_115 = vector.load %arg2[%get3A_112, %get3A_113, %get3A_114] : memref<4x128x128xf32, #tpu.memory_space<vmem>>, vector<1x128x128xf32>
    %get3A_116 = vector.shape_cast %get3A_115 : vector<1x128x128xf32> to vector<128x128xf32>
    %mul3A_117 = vector.broadcast %get3A_111 : f32 to vector<128x128xf32>
    %mul3A_118 = arith.mulf %mul3A_117, %get3A_116 : vector<128x128xf32>
    %get3A_119 = arith.constant 2 : index
    %get3A_120 = arith.constant 1 : index
    %get3A_121 = vector.load %arg1[%get3A_119, %get3A_120] : memref<8x4xf32, #tpu.memory_space<vmem>>, vector<1x1xf32>
    %get3A_122 = vector.extract %get3A_121[0, 0] : f32 from vector<1x1xf32>
    %get3A_123 = arith.constant 1 : index
    %get3A_124 = arith.constant 0 : index
    %get3A_125 = arith.constant 0 : index
    %get3A_126 = vector.load %arg2[%get3A_123, %get3A_124, %get3A_125] : memref<4x128x128xf32, #tpu.memory_space<vmem>>, vector<1x128x128xf32>
    %get3A_127 = vector.shape_cast %get3A_126 : vector<1x128x128xf32> to vector<128x128xf32>
    %mul3A_128 = vector.broadcast %get3A_122 : f32 to vector<128x128xf32>
    %mul3A_129 = arith.mulf %mul3A_128, %get3A_127 : vector<128x128xf32>
    %add3A_130 = arith.addf %mul3A_118, %mul3A_129 : vector<128x128xf32>
    %get3A_131 = arith.constant 2 : index
    %get3A_132 = arith.constant 2 : index
    %get3A_133 = vector.load %arg1[%get3A_131, %get3A_132] : memref<8x4xf32, #tpu.memory_space<vmem>>, vector<1x1xf32>
    %get3A_134 = vector.extract %get3A_133[0, 0] : f32 from vector<1x1xf32>
    %get3A_135 = arith.constant 2 : index
    %get3A_136 = arith.constant 0 : index
    %get3A_137 = arith.constant 0 : index
    %get3A_138 = vector.load %arg2[%get3A_135, %get3A_136, %get3A_137] : memref<4x128x128xf32, #tpu.memory_space<vmem>>, vector<1x128x128xf32>
    %get3A_139 = vector.shape_cast %get3A_138 : vector<1x128x128xf32> to vector<128x128xf32>
    %mul3A_140 = vector.broadcast %get3A_134 : f32 to vector<128x128xf32>
    %mul3A_141 = arith.mulf %mul3A_140, %get3A_139 : vector<128x128xf32>
    %add3A_142 = arith.addf %add3A_130, %mul3A_141 : vector<128x128xf32>
    %get3A_143 = arith.constant 2 : index
    %get3A_144 = arith.constant 3 : index
    %get3A_145 = vector.load %arg1[%get3A_143, %get3A_144] : memref<8x4xf32, #tpu.memory_space<vmem>>, vector<1x1xf32>
    %get3A_146 = vector.extract %get3A_145[0, 0] : f32 from vector<1x1xf32>
    %get3A_147 = arith.constant 3 : index
    %get3A_148 = arith.constant 0 : index
    %get3A_149 = arith.constant 0 : index
    %get3A_150 = vector.load %arg2[%get3A_147, %get3A_148, %get3A_149] : memref<4x128x128xf32, #tpu.memory_space<vmem>>, vector<1x128x128xf32>
    %get3A_151 = vector.shape_cast %get3A_150 : vector<1x128x128xf32> to vector<128x128xf32>
    %mul3A_152 = vector.broadcast %get3A_146 : f32 to vector<128x128xf32>
    %mul3A_153 = arith.mulf %mul3A_152, %get3A_151 : vector<128x128xf32>
    %add3A_154 = arith.addf %add3A_142, %mul3A_153 : vector<128x128xf32>
    %dot_general3A_155 = arith.constant dense<0.000000e+00> : vector<2000x128xf32>
    %dot_general3A_156 = tpu.matmul %get3A_1, %add3A_154, %dot_general3A_155 {dimension_numbers = #tpu.dot_dimension_numbers<[1], [0], [0], [1], [0, 0, 1, 1], [], []>, transpose_lhs_hint = false} : vector<2000x128xf32>, vector<128x128xf32>, vector<2000x128xf32> -> vector<2000x128xf32>
    %swap3A_157 = arith.constant 2 : index
    %swap3A_158 = arith.constant 0 : index
    %swap3A_159 = arith.constant 0 : index
    %swap3A_160 = vector.load %arg4[%swap3A_157, %swap3A_158, %swap3A_159] : memref<8x2000x128xf32, #tpu.memory_space<vmem>>, vector<1x2000x128xf32>
    %swap3A_161 = vector.shape_cast %swap3A_160 : vector<1x2000x128xf32> to vector<2000x128xf32>
    %swap3A_162 = vector.shape_cast %dot_general3A_156 : vector<2000x128xf32> to vector<1x2000x128xf32>
    tpu.vector_store %arg4[%swap3A_157, %swap3A_158, %swap3A_159], %swap3A_162 {strides = array<i32>} : memref<8x2000x128xf32, #tpu.memory_space<vmem>>, vector<1x2000x128xf32>,
    %get3A_163 = arith.constant 3 : index
    %get3A_164 = arith.constant 0 : index
    %get3A_165 = vector.load %arg1[%get3A_163, %get3A_164] : memref<8x4xf32, #tpu.memory_space<vmem>>, vector<1x1xf32>
    %get3A_166 = vector.extract %get3A_165[0, 0] : f32 from vector<1x1xf32>
    %get3A_167 = arith.constant 0 : index
    %get3A_168 = arith.constant 0 : index
    %get3A_169 = arith.constant 0 : index
    %get3A_170 = vector.load %arg2[%get3A_167, %get3A_168, %get3A_169] : memref<4x128x128xf32, #tpu.memory_space<vmem>>, vector<1x128x128xf32>
    %get3A_171 = vector.shape_cast %get3A_170 : vector<1x128x128xf32> to vector<128x128xf32>
    %mul3A_172 = vector.broadcast %get3A_166 : f32 to vector<128x128xf32>
    %mul3A_173 = arith.mulf %mul3A_172, %get3A_171 : vector<128x128xf32>
    %get3A_174 = arith.constant 3 : index
    %get3A_175 = arith.constant 1 : index
    %get3A_176 = vector.load %arg1[%get3A_174, %get3A_175] : memref<8x4xf32, #tpu.memory_space<vmem>>, vector<1x1xf32>
    %get3A_177 = vector.extract %get3A_176[0, 0] : f32 from vector<1x1xf32>
    %get3A_178 = arith.constant 1 : index
    %get3A_179 = arith.constant 0 : index
    %get3A_180 = arith.constant 0 : index
    %get3A_181 = vector.load %arg2[%get3A_178, %get3A_179, %get3A_180] : memref<4x128x128xf32, #tpu.memory_space<vmem>>, vector<1x128x128xf32>
    %get3A_182 = vector.shape_cast %get3A_181 : vector<1x128x128xf32> to vector<128x128xf32>
    %mul3A_183 = vector.broadcast %get3A_177 : f32 to vector<128x128xf32>
    %mul3A_184 = arith.mulf %mul3A_183, %get3A_182 : vector<128x128xf32>
    %add3A_185 = arith.addf %mul3A_173, %mul3A_184 : vector<128x128xf32>
    %get3A_186 = arith.constant 3 : index
    %get3A_187 = arith.constant 2 : index
    %get3A_188 = vector.load %arg1[%get3A_186, %get3A_187] : memref<8x4xf32, #tpu.memory_space<vmem>>, vector<1x1xf32>
    %get3A_189 = vector.extract %get3A_188[0, 0] : f32 from vector<1x1xf32>
    %get3A_190 = arith.constant 2 : index
    %get3A_191 = arith.constant 0 : index
    %get3A_192 = arith.constant 0 : index
    %get3A_193 = vector.load %arg2[%get3A_190, %get3A_191, %get3A_192] : memref<4x128x128xf32, #tpu.memory_space<vmem>>, vector<1x128x128xf32>
    %get3A_194 = vector.shape_cast %get3A_193 : vector<1x128x128xf32> to vector<128x128xf32>
    %mul3A_195 = vector.broadcast %get3A_189 : f32 to vector<128x128xf32>
    %mul3A_196 = arith.mulf %mul3A_195, %get3A_194 : vector<128x128xf32>
    %add3A_197 = arith.addf %add3A_185, %mul3A_196 : vector<128x128xf32>
    %get3A_198 = arith.constant 3 : index
    %get3A_199 = arith.constant 3 : index
    %get3A_200 = vector.load %arg1[%get3A_198, %get3A_199] : memref<8x4xf32, #tpu.memory_space<vmem>>, vector<1x1xf32>
    %get3A_201 = vector.extract %get3A_200[0, 0] : f32 from vector<1x1xf32>
    %get3A_202 = arith.constant 3 : index
    %get3A_203 = arith.constant 0 : index
    %get3A_204 = arith.constant 0 : index
    %get3A_205 = vector.load %arg2[%get3A_202, %get3A_203, %get3A_204] : memref<4x128x128xf32, #tpu.memory_space<vmem>>, vector<1x128x128xf32>
    %get3A_206 = vector.shape_cast %get3A_205 : vector<1x128x128xf32> to vector<128x128xf32>
    %mul3A_207 = vector.broadcast %get3A_201 : f32 to vector<128x128xf32>
    %mul3A_208 = arith.mulf %mul3A_207, %get3A_206 : vector<128x128xf32>
    %add3A_209 = arith.addf %add3A_197, %mul3A_208 : vector<128x128xf32>
    %dot_general3A_210 = arith.constant dense<0.000000e+00> : vector<2000x128xf32>
    %dot_general3A_211 = tpu.matmul %get3A_1, %add3A_209, %dot_general3A_210 {dimension_numbers = #tpu.dot_dimension_numbers<[1], [0], [0], [1], [0, 0, 1, 1], [], []>, transpose_lhs_hint = false} : vector<2000x128xf32>, vector<128x128xf32>, vector<2000x128xf32> -> vector<2000x128xf32>
    %swap3A_212 = arith.constant 3 : index
    %swap3A_213 = arith.constant 0 : index
    %swap3A_214 = arith.constant 0 : index
    %swap3A_215 = vector.load %arg4[%swap3A_212, %swap3A_213, %swap3A_214] : memref<8x2000x128xf32, #tpu.memory_space<vmem>>, vector<1x2000x128xf32>
    %swap3A_216 = vector.shape_cast %swap3A_215 : vector<1x2000x128xf32> to vector<2000x128xf32>
    %swap3A_217 = vector.shape_cast %dot_general3A_211 : vector<2000x128xf32> to vector<1x2000x128xf32>
    tpu.vector_store %arg4[%swap3A_212, %swap3A_213, %swap3A_214], %swap3A_217 {strides = array<i32>} : memref<8x2000x128xf32, #tpu.memory_space<vmem>>, vector<1x2000x128xf32>,
    %get3A_218 = arith.constant 4 : index
    %get3A_219 = arith.constant 0 : index
    %get3A_220 = vector.load %arg1[%get3A_218, %get3A_219] : memref<8x4xf32, #tpu.memory_space<vmem>>, vector<1x1xf32>
    %get3A_221 = vector.extract %get3A_220[0, 0] : f32 from vector<1x1xf32>
    %get3A_222 = arith.constant 0 : index
    %get3A_223 = arith.constant 0 : index
    %get3A_224 = arith.constant 0 : index
    %get3A_225 = vector.load %arg2[%get3A_222, %get3A_223, %get3A_224] : memref<4x128x128xf32, #tpu.memory_space<vmem>>, vector<1x128x128xf32>
    %get3A_226 = vector.shape_cast %get3A_225 : vector<1x128x128xf32> to vector<128x128xf32>
    %mul3A_227 = vector.broadcast %get3A_221 : f32 to vector<128x128xf32>
    %mul3A_228 = arith.mulf %mul3A_227, %get3A_226 : vector<128x128xf32>
    %get3A_229 = arith.constant 4 : index
    %get3A_230 = arith.constant 1 : index
    %get3A_231 = vector.load %arg1[%get3A_229, %get3A_230] : memref<8x4xf32, #tpu.memory_space<vmem>>, vector<1x1xf32>
    %get3A_232 = vector.extract %get3A_231[0, 0] : f32 from vector<1x1xf32>
    %get3A_233 = arith.constant 1 : index
    %get3A_234 = arith.constant 0 : index
    %get3A_235 = arith.constant 0 : index
    %get3A_236 = vector.load %arg2[%get3A_233, %get3A_234, %get3A_235] : memref<4x128x128xf32, #tpu.memory_space<vmem>>, vector<1x128x128xf32>
    %get3A_237 = vector.shape_cast %get3A_236 : vector<1x128x128xf32> to vector<128x128xf32>
    %mul3A_238 = vector.broadcast %get3A_232 : f32 to vector<128x128xf32>
    %mul3A_239 = arith.mulf %mul3A_238, %get3A_237 : vector<128x128xf32>
    %add3A_240 = arith.addf %mul3A_228, %mul3A_239 : vector<128x128xf32>
    %get3A_241 = arith.constant 4 : index
    %get3A_242 = arith.constant 2 : index
    %get3A_243 = vector.load %arg1[%get3A_241, %get3A_242] : memref<8x4xf32, #tpu.memory_space<vmem>>, vector<1x1xf32>
    %get3A_244 = vector.extract %get3A_243[0, 0] : f32 from vector<1x1xf32>
    %get3A_245 = arith.constant 2 : index
    %get3A_246 = arith.constant 0 : index
    %get3A_247 = arith.constant 0 : index
    %get3A_248 = vector.load %arg2[%get3A_245, %get3A_246, %get3A_247] : memref<4x128x128xf32, #tpu.memory_space<vmem>>, vector<1x128x128xf32>
    %get3A_249 = vector.shape_cast %get3A_248 : vector<1x128x128xf32> to vector<128x128xf32>
    %mul3A_250 = vector.broadcast %get3A_244 : f32 to vector<128x128xf32>
    %mul3A_251 = arith.mulf %mul3A_250, %get3A_249 : vector<128x128xf32>
    %add3A_252 = arith.addf %add3A_240, %mul3A_251 : vector<128x128xf32>
    %get3A_253 = arith.constant 4 : index
    %get3A_254 = arith.constant 3 : index
    %get3A_255 = vector.load %arg1[%get3A_253, %get3A_254] : memref<8x4xf32, #tpu.memory_space<vmem>>, vector<1x1xf32>
    %get3A_256 = vector.extract %get3A_255[0, 0] : f32 from vector<1x1xf32>
    %get3A_257 = arith.constant 3 : index
    %get3A_258 = arith.constant 0 : index
    %get3A_259 = arith.constant 0 : index
    %get3A_260 = vector.load %arg2[%get3A_257, %get3A_258, %get3A_259] : memref<4x128x128xf32, #tpu.memory_space<vmem>>, vector<1x128x128xf32>
    %get3A_261 = vector.shape_cast %get3A_260 : vector<1x128x128xf32> to vector<128x128xf32>
    %mul3A_262 = vector.broadcast %get3A_256 : f32 to vector<128x128xf32>
    %mul3A_263 = arith.mulf %mul3A_262, %get3A_261 : vector<128x128xf32>
    %add3A_264 = arith.addf %add3A_252, %mul3A_263 : vector<128x128xf32>
    %dot_general3A_265 = arith.constant dense<0.000000e+00> : vector<2000x128xf32>
    %dot_general3A_266 = tpu.matmul %get3A_1, %add3A_264, %dot_general3A_265 {dimension_numbers = #tpu.dot_dimension_numbers<[1], [0], [0], [1], [0, 0, 1, 1], [], []>, transpose_lhs_hint = false} : vector<2000x128xf32>, vector<128x128xf32>, vector<2000x128xf32> -> vector<2000x128xf32>
    %swap3A_267 = arith.constant 4 : index
    %swap3A_268 = arith.constant 0 : index
    %swap3A_269 = arith.constant 0 : index
    %swap3A_270 = vector.load %arg4[%swap3A_267, %swap3A_268, %swap3A_269] : memref<8x2000x128xf32, #tpu.memory_space<vmem>>, vector<1x2000x128xf32>
    %swap3A_271 = vector.shape_cast %swap3A_270 : vector<1x2000x128xf32> to vector<2000x128xf32>
    %swap3A_272 = vector.shape_cast %dot_general3A_266 : vector<2000x128xf32> to vector<1x2000x128xf32>
    tpu.vector_store %arg4[%swap3A_267, %swap3A_268, %swap3A_269], %swap3A_272 {strides = array<i32>} : memref<8x2000x128xf32, #tpu.memory_space<vmem>>, vector<1x2000x128xf32>,
    %get3A_273 = arith.constant 5 : index
    %get3A_274 = arith.constant 0 : index
    %get3A_275 = vector.load %arg1[%get3A_273, %get3A_274] : memref<8x4xf32, #tpu.memory_space<vmem>>, vector<1x1xf32>
    %get3A_276 = vector.extract %get3A_275[0, 0] : f32 from vector<1x1xf32>
    %get3A_277 = arith.constant 0 : index
    %get3A_278 = arith.constant 0 : index
    %get3A_279 = arith.constant 0 : index
    %get3A_280 = vector.load %arg2[%get3A_277, %get3A_278, %get3A_279] : memref<4x128x128xf32, #tpu.memory_space<vmem>>, vector<1x128x128xf32>
    %get3A_281 = vector.shape_cast %get3A_280 : vector<1x128x128xf32> to vector<128x128xf32>
    %mul3A_282 = vector.broadcast %get3A_276 : f32 to vector<128x128xf32>
    %mul3A_283 = arith.mulf %mul3A_282, %get3A_281 : vector<128x128xf32>
    %get3A_284 = arith.constant 5 : index
    %get3A_285 = arith.constant 1 : index
    %get3A_286 = vector.load %arg1[%get3A_284, %get3A_285] : memref<8x4xf32, #tpu.memory_space<vmem>>, vector<1x1xf32>
    %get3A_287 = vector.extract %get3A_286[0, 0] : f32 from vector<1x1xf32>
    %get3A_288 = arith.constant 1 : index
    %get3A_289 = arith.constant 0 : index
    %get3A_290 = arith.constant 0 : index
    %get3A_291 = vector.load %arg2[%get3A_288, %get3A_289, %get3A_290] : memref<4x128x128xf32, #tpu.memory_space<vmem>>, vector<1x128x128xf32>
    %get3A_292 = vector.shape_cast %get3A_291 : vector<1x128x128xf32> to vector<128x128xf32>
    %mul3A_293 = vector.broadcast %get3A_287 : f32 to vector<128x128xf32>
    %mul3A_294 = arith.mulf %mul3A_293, %get3A_292 : vector<128x128xf32>
    %add3A_295 = arith.addf %mul3A_283, %mul3A_294 : vector<128x128xf32>
    %get3A_296 = arith.constant 5 : index
    %get3A_297 = arith.constant 2 : index
    %get3A_298 = vector.load %arg1[%get3A_296, %get3A_297] : memref<8x4xf32, #tpu.memory_space<vmem>>, vector<1x1xf32>
    %get3A_299 = vector.extract %get3A_298[0, 0] : f32 from vector<1x1xf32>
    %get3A_300 = arith.constant 2 : index
    %get3A_301 = arith.constant 0 : index
    %get3A_302 = arith.constant 0 : index
    %get3A_303 = vector.load %arg2[%get3A_300, %get3A_301, %get3A_302] : memref<4x128x128xf32, #tpu.memory_space<vmem>>, vector<1x128x128xf32>
    %get3A_304 = vector.shape_cast %get3A_303 : vector<1x128x128xf32> to vector<128x128xf32>
    %mul3A_305 = vector.broadcast %get3A_299 : f32 to vector<128x128xf32>
    %mul3A_306 = arith.mulf %mul3A_305, %get3A_304 : vector<128x128xf32>
    %add3A_307 = arith.addf %add3A_295, %mul3A_306 : vector<128x128xf32>
    %get3A_308 = arith.constant 5 : index
    %get3A_309 = arith.constant 3 : index
    %get3A_310 = vector.load %arg1[%get3A_308, %get3A_309] : memref<8x4xf32, #tpu.memory_space<vmem>>, vector<1x1xf32>
    %get3A_311 = vector.extract %get3A_310[0, 0] : f32 from vector<1x1xf32>
    %get3A_312 = arith.constant 3 : index
    %get3A_313 = arith.constant 0 : index
    %get3A_314 = arith.constant 0 : index
    %get3A_315 = vector.load %arg2[%get3A_312, %get3A_313, %get3A_314] : memref<4x128x128xf32, #tpu.memory_space<vmem>>, vector<1x128x128xf32>
    %get3A_316 = vector.shape_cast %get3A_315 : vector<1x128x128xf32> to vector<128x128xf32>
    %mul3A_317 = vector.broadcast %get3A_311 : f32 to vector<128x128xf32>
    %mul3A_318 = arith.mulf %mul3A_317, %get3A_316 : vector<128x128xf32>
    %add3A_319 = arith.addf %add3A_307, %mul3A_318 : vector<128x128xf32>
    %dot_general3A_320 = arith.constant dense<0.000000e+00> : vector<2000x128xf32>
    %dot_general3A_321 = tpu.matmul %get3A_1, %add3A_319, %dot_general3A_320 {dimension_numbers = #tpu.dot_dimension_numbers<[1], [0], [0], [1], [0, 0, 1, 1], [], []>, transpose_lhs_hint = false} : vector<2000x128xf32>, vector<128x128xf32>, vector<2000x128xf32> -> vector<2000x128xf32>
    %swap3A_322 = arith.constant 5 : index
    %swap3A_323 = arith.constant 0 : index
    %swap3A_324 = arith.constant 0 : index
    %swap3A_325 = vector.load %arg4[%swap3A_322, %swap3A_323, %swap3A_324] : memref<8x2000x128xf32, #tpu.memory_space<vmem>>, vector<1x2000x128xf32>
    %swap3A_326 = vector.shape_cast %swap3A_325 : vector<1x2000x128xf32> to vector<2000x128xf32>
    %swap3A_327 = vector.shape_cast %dot_general3A_321 : vector<2000x128xf32> to vector<1x2000x128xf32>
    tpu.vector_store %arg4[%swap3A_322, %swap3A_323, %swap3A_324], %swap3A_327 {strides = array<i32>} : memref<8x2000x128xf32, #tpu.memory_space<vmem>>, vector<1x2000x128xf32>,
    %get3A_328 = arith.constant 6 : index
    %get3A_329 = arith.constant 0 : index
    %get3A_330 = vector.load %arg1[%get3A_328, %get3A_329] : memref<8x4xf32, #tpu.memory_space<vmem>>, vector<1x1xf32>
    %get3A_331 = vector.extract %get3A_330[0, 0] : f32 from vector<1x1xf32>
    %get3A_332 = arith.constant 0 : index
    %get3A_333 = arith.constant 0 : index
    %get3A_334 = arith.constant 0 : index
    %get3A_335 = vector.load %arg2[%get3A_332, %get3A_333, %get3A_334] : memref<4x128x128xf32, #tpu.memory_space<vmem>>, vector<1x128x128xf32>
    %get3A_336 = vector.shape_cast %get3A_335 : vector<1x128x128xf32> to vector<128x128xf32>
    %mul3A_337 = vector.broadcast %get3A_331 : f32 to vector<128x128xf32>
    %mul3A_338 = arith.mulf %mul3A_337, %get3A_336 : vector<128x128xf32>
    %get3A_339 = arith.constant 6 : index
    %get3A_340 = arith.constant 1 : index
    %get3A_341 = vector.load %arg1[%get3A_339, %get3A_340] : memref<8x4xf32, #tpu.memory_space<vmem>>, vector<1x1xf32>
    %get3A_342 = vector.extract %get3A_341[0, 0] : f32 from vector<1x1xf32>
    %get3A_343 = arith.constant 1 : index
    %get3A_344 = arith.constant 0 : index
    %get3A_345 = arith.constant 0 : index
    %get3A_346 = vector.load %arg2[%get3A_343, %get3A_344, %get3A_345] : memref<4x128x128xf32, #tpu.memory_space<vmem>>, vector<1x128x128xf32>
    %get3A_347 = vector.shape_cast %get3A_346 : vector<1x128x128xf32> to vector<128x128xf32>
    %mul3A_348 = vector.broadcast %get3A_342 : f32 to vector<128x128xf32>
    %mul3A_349 = arith.mulf %mul3A_348, %get3A_347 : vector<128x128xf32>
    %add3A_350 = arith.addf %mul3A_338, %mul3A_349 : vector<128x128xf32>
    %get3A_351 = arith.constant 6 : index
    %get3A_352 = arith.constant 2 : index
    %get3A_353 = vector.load %arg1[%get3A_351, %get3A_352] : memref<8x4xf32, #tpu.memory_space<vmem>>, vector<1x1xf32>
    %get3A_354 = vector.extract %get3A_353[0, 0] : f32 from vector<1x1xf32>
    %get3A_355 = arith.constant 2 : index
    %get3A_356 = arith.constant 0 : index
    %get3A_357 = arith.constant 0 : index
    %get3A_358 = vector.load %arg2[%get3A_355, %get3A_356, %get3A_357] : memref<4x128x128xf32, #tpu.memory_space<vmem>>, vector<1x128x128xf32>
    %get3A_359 = vector.shape_cast %get3A_358 : vector<1x128x128xf32> to vector<128x128xf32>
    %mul3A_360 = vector.broadcast %get3A_354 : f32 to vector<128x128xf32>
    %mul3A_361 = arith.mulf %mul3A_360, %get3A_359 : vector<128x128xf32>
    %add3A_362 = arith.addf %add3A_350, %mul3A_361 : vector<128x128xf32>
    %get3A_363 = arith.constant 6 : index
    %get3A_364 = arith.constant 3 : index
    %get3A_365 = vector.load %arg1[%get3A_363, %get3A_364] : memref<8x4xf32, #tpu.memory_space<vmem>>, vector<1x1xf32>
    %get3A_366 = vector.extract %get3A_365[0, 0] : f32 from vector<1x1xf32>
    %get3A_367 = arith.constant 3 : index
    %get3A_368 = arith.constant 0 : index
    %get3A_369 = arith.constant 0 : index
    %get3A_370 = vector.load %arg2[%get3A_367, %get3A_368, %get3A_369] : memref<4x128x128xf32, #tpu.memory_space<vmem>>, vector<1x128x128xf32>
    %get3A_371 = vector.shape_cast %get3A_370 : vector<1x128x128xf32> to vector<128x128xf32>
    %mul3A_372 = vector.broadcast %get3A_366 : f32 to vector<128x128xf32>
    %mul3A_373 = arith.mulf %mul3A_372, %get3A_371 : vector<128x128xf32>
    %add3A_374 = arith.addf %add3A_362, %mul3A_373 : vector<128x128xf32>
    %dot_general3A_375 = arith.constant dense<0.000000e+00> : vector<2000x128xf32>
    %dot_general3A_376 = tpu.matmul %get3A_1, %add3A_374, %dot_general3A_375 {dimension_numbers = #tpu.dot_dimension_numbers<[1], [0], [0], [1], [0, 0, 1, 1], [], []>, transpose_lhs_hint = false} : vector<2000x128xf32>, vector<128x128xf32>, vector<2000x128xf32> -> vector<2000x128xf32>
    %swap3A_377 = arith.constant 6 : index
    %swap3A_378 = arith.constant 0 : index
    %swap3A_379 = arith.constant 0 : index
    %swap3A_380 = vector.load %arg4[%swap3A_377, %swap3A_378, %swap3A_379] : memref<8x2000x128xf32, #tpu.memory_space<vmem>>, vector<1x2000x128xf32>
    %swap3A_381 = vector.shape_cast %swap3A_380 : vector<1x2000x128xf32> to vector<2000x128xf32>
    %swap3A_382 = vector.shape_cast %dot_general3A_376 : vector<2000x128xf32> to vector<1x2000x128xf32>
    tpu.vector_store %arg4[%swap3A_377, %swap3A_378, %swap3A_379], %swap3A_382 {strides = array<i32>} : memref<8x2000x128xf32, #tpu.memory_space<vmem>>, vector<1x2000x128xf32>,
    %get3A_383 = arith.constant 7 : index
    %get3A_384 = arith.constant 0 : index
    %get3A_385 = vector.load %arg1[%get3A_383, %get3A_384] : memref<8x4xf32, #tpu.memory_space<vmem>>, vector<1x1xf32>
    %get3A_386 = vector.extract %get3A_385[0, 0] : f32 from vector<1x1xf32>
    %get3A_387 = arith.constant 0 : index
    %get3A_388 = arith.constant 0 : index
    %get3A_389 = arith.constant 0 : index
    %get3A_390 = vector.load %arg2[%get3A_387, %get3A_388, %get3A_389] : memref<4x128x128xf32, #tpu.memory_space<vmem>>, vector<1x128x128xf32>
    %get3A_391 = vector.shape_cast %get3A_390 : vector<1x128x128xf32> to vector<128x128xf32>
    %mul3A_392 = vector.broadcast %get3A_386 : f32 to vector<128x128xf32>
    %mul3A_393 = arith.mulf %mul3A_392, %get3A_391 : vector<128x128xf32>
    %get3A_394 = arith.constant 7 : index
    %get3A_395 = arith.constant 1 : index
    %get3A_396 = vector.load %arg1[%get3A_394, %get3A_395] : memref<8x4xf32, #tpu.memory_space<vmem>>, vector<1x1xf32>
    %get3A_397 = vector.extract %get3A_396[0, 0] : f32 from vector<1x1xf32>
    %get3A_398 = arith.constant 1 : index
    %get3A_399 = arith.constant 0 : index
    %get3A_400 = arith.constant 0 : index
    %get3A_401 = vector.load %arg2[%get3A_398, %get3A_399, %get3A_400] : memref<4x128x128xf32, #tpu.memory_space<vmem>>, vector<1x128x128xf32>
    %get3A_402 = vector.shape_cast %get3A_401 : vector<1x128x128xf32> to vector<128x128xf32>
    %mul3A_403 = vector.broadcast %get3A_397 : f32 to vector<128x128xf32>
    %mul3A_404 = arith.mulf %mul3A_403, %get3A_402 : vector<128x128xf32>
    %add3A_405 = arith.addf %mul3A_393, %mul3A_404 : vector<128x128xf32>
    %get3A_406 = arith.constant 7 : index
    %get3A_407 = arith.constant 2 : index
    %get3A_408 = vector.load %arg1[%get3A_406, %get3A_407] : memref<8x4xf32, #tpu.memory_space<vmem>>, vector<1x1xf32>
    %get3A_409 = vector.extract %get3A_408[0, 0] : f32 from vector<1x1xf32>
    %get3A_410 = arith.constant 2 : index
    %get3A_411 = arith.constant 0 : index
    %get3A_412 = arith.constant 0 : index
    %get3A_413 = vector.load %arg2[%get3A_410, %get3A_411, %get3A_412] : memref<4x128x128xf32, #tpu.memory_space<vmem>>, vector<1x128x128xf32>
    %get3A_414 = vector.shape_cast %get3A_413 : vector<1x128x128xf32> to vector<128x128xf32>
    %mul3A_415 = vector.broadcast %get3A_409 : f32 to vector<128x128xf32>
    %mul3A_416 = arith.mulf %mul3A_415, %get3A_414 : vector<128x128xf32>
    %add3A_417 = arith.addf %add3A_405, %mul3A_416 : vector<128x128xf32>
    %get3A_418 = arith.constant 7 : index
    %get3A_419 = arith.constant 3 : index
    %get3A_420 = vector.load %arg1[%get3A_418, %get3A_419] : memref<8x4xf32, #tpu.memory_space<vmem>>, vector<1x1xf32>
    %get3A_421 = vector.extract %get3A_420[0, 0] : f32 from vector<1x1xf32>
    %get3A_422 = arith.constant 3 : index
    %get3A_423 = arith.constant 0 : index
    %get3A_424 = arith.constant 0 : index
    %get3A_425 = vector.load %arg2[%get3A_422, %get3A_423, %get3A_424] : memref<4x128x128xf32, #tpu.memory_space<vmem>>, vector<1x128x128xf32>
    %get3A_426 = vector.shape_cast %get3A_425 : vector<1x128x128xf32> to vector<128x128xf32>
    %mul3A_427 = vector.broadcast %get3A_421 : f32 to vector<128x128xf32>
    %mul3A_428 = arith.mulf %mul3A_427, %get3A_426 : vector<128x128xf32>
    %add3A_429 = arith.addf %add3A_417, %mul3A_428 : vector<128x128xf32>
    %dot_general3A_430 = arith.constant dense<0.000000e+00> : vector<2000x128xf32>
    %dot_general3A_431 = tpu.matmul %get3A_1, %add3A_429, %dot_general3A_430 {dimension_numbers = #tpu.dot_dimension_numbers<[1], [0], [0], [1], [0, 0, 1, 1], [], []>, transpose_lhs_hint = false} : vector<2000x128xf32>, vector<128x128xf32>, vector<2000x128xf32> -> vector<2000x128xf32>
    %swap3A_432 = arith.constant 7 : index
    %swap3A_433 = arith.constant 0 : index
    %swap3A_434 = arith.constant 0 : index
    %swap3A_435 = vector.load %arg4[%swap3A_432, %swap3A_433, %swap3A_434] : memref<8x2000x128xf32, #tpu.memory_space<vmem>>, vector<1x2000x128xf32>
    %swap3A_436 = vector.shape_cast %swap3A_435 : vector<1x2000x128xf32> to vector<2000x128xf32>
    %swap3A_437 = vector.shape_cast %dot_general3A_431 : vector<2000x128xf32> to vector<1x2000x128xf32>
    tpu.vector_store %arg4[%swap3A_432, %swap3A_433, %swap3A_434], %swap3A_437 {strides = array<i32>} : memref<8x2000x128xf32, #tpu.memory_space<vmem>>, vector<1x2000x128xf32>,
    return
  }
  func.func @transform_0(%arg0: i32) -> (i32, i32) {
    %c0_i32 = arith.constant 0 : i32
    %c0_i32_0 = arith.constant 0 : i32
    %c0_i32_1 = arith.constant 0 : i32
    return %c0_i32, %c0_i32_0 : i32, i32
  }
  func.func @transform_1(%arg0: i32) -> (i32, i32, i32) {
    %c0_i32 = arith.constant 0 : i32
    %c0_i32_0 = arith.constant 0 : i32
    %c0_i32_1 = arith.constant 0 : i32
    %c0_i32_2 = arith.constant 0 : i32
    return %c0_i32, %c0_i32_0, %c0_i32_1 : i32, i32, i32
  }
  func.func @transform_2(%arg0: i32) -> (i32, i32) {
    %c0_i32 = arith.constant 0 : i32
    %c0_i32_0 = arith.constant 0 : i32
    return %arg0, %c0_i32 : i32, i32
  }
  func.func @transform_3(%arg0: i32) -> (i32, i32, i32) {
    %c0_i32 = arith.constant 0 : i32
    %c0_i32_0 = arith.constant 0 : i32
    %c0_i32_1 = arith.constant 0 : i32
    return %c0_i32, %arg0, %c0_i32_0 : i32, i32, i32
  }
}

module attributes {stable_mosaic.version = 14 : i64} {
  func.func @_combine_body(%arg0: i32, %arg1: memref<2000x128xf32, #tpu.memory_space<vmem>>, %arg2: memref<128x128xf32, #tpu.memory_space<vmem>>, %arg3: memref<2x2000x128xf32, #tpu.memory_space<vmem>>, %arg4: memref<2000x128xf32, #tpu.memory_space<vmem>>) attributes {dimension_semantics = [#tpu.dimension_semantics<arbitrary>], iteration_bounds = array<i64: 5>, scalar_prefetch = 0 : i64, scratch_operands = 0 : i64, tpu.core_type = #tpu.core_type<tc>, window_params = [{transform_indices = @transform_0, window_bounds = array<i64: 2000, 128>}, {pipeline_mode = #tpu.pipeline_mode<synchronous>, transform_indices = @transform_1, window_bounds = array<i64: 128, 128>}, {transform_indices = @transform_2, window_bounds = array<i64: 2, 2000, 128>}, {transform_indices = @transform_3, window_bounds = array<i64: 2000, 128>}]} {
    %get3A = arith.constant 0 : index
    %get3A_0 = arith.constant 0 : index
    %get3A_1 = vector.load %arg1[%get3A, %get3A_0] : memref<2000x128xf32, #tpu.memory_space<vmem>>, vector<2000x128xf32>
    %get3A_2 = arith.constant 0 : index
    %get3A_3 = arith.constant 0 : index
    %get3A_4 = vector.load %arg2[%get3A_2, %get3A_3] : memref<128x128xf32, #tpu.memory_space<vmem>>, vector<128x128xf32>
    %dot_general3A = arith.constant dense<0.000000e+00> : vector<2000x128xf32>
    %dot_general3A_5 = tpu.matmul %get3A_1, %get3A_4, %dot_general3A {dimension_numbers = #tpu.dot_dimension_numbers<[1], [1], [0], [0], [0, 0, 1, 0], [], []>, transpose_lhs_hint = false} : vector<2000x128xf32>, vector<128x128xf32>, vector<2000x128xf32> -> vector<2000x128xf32>
    %get3A_6 = arith.constant 0 : index
    %get3A_7 = arith.constant 0 : index
    %get3A_8 = arith.constant 0 : index
    %get3A_9 = vector.load %arg3[%get3A_6, %get3A_7, %get3A_8] : memref<2x2000x128xf32, #tpu.memory_space<vmem>>, vector<1x2000x128xf32>
    %get3A_10 = vector.shape_cast %get3A_9 : vector<1x2000x128xf32> to vector<2000x128xf32>
    %add3A = arith.addf %dot_general3A_5, %get3A_10 : vector<2000x128xf32>
    %get3A_11 = arith.constant 1 : index
    %get3A_12 = arith.constant 0 : index
    %get3A_13 = arith.constant 0 : index
    %get3A_14 = vector.load %arg3[%get3A_11, %get3A_12, %get3A_13] : memref<2x2000x128xf32, #tpu.memory_space<vmem>>, vector<1x2000x128xf32>
    %get3A_15 = vector.shape_cast %get3A_14 : vector<1x2000x128xf32> to vector<2000x128xf32>
    %add3A_16 = arith.addf %add3A, %get3A_15 : vector<2000x128xf32>
    %swap3A = arith.constant 0 : index
    %swap3A_17 = arith.constant 0 : index
    %swap3A_18 = vector.load %arg4[%swap3A, %swap3A_17] : memref<2000x128xf32, #tpu.memory_space<vmem>>, vector<2000x128xf32>
    tpu.vector_store %arg4[%swap3A, %swap3A_17], %add3A_16 {strides = array<i32>} : memref<2000x128xf32, #tpu.memory_space<vmem>>, vector<2000x128xf32>,
    return
  }
  func.func @transform_0(%arg0: i32) -> (i32, i32) {
    %c0_i32 = arith.constant 0 : i32
    %c0_i32_0 = arith.constant 0 : i32
    return %arg0, %c0_i32 : i32, i32
  }
  func.func @transform_1(%arg0: i32) -> (i32, i32) {
    %c0_i32 = arith.constant 0 : i32
    %c0_i32_0 = arith.constant 0 : i32
    %c0_i32_1 = arith.constant 0 : i32
    return %c0_i32, %c0_i32_0 : i32, i32
  }
  func.func @transform_2(%arg0: i32) -> (i32, i32, i32) {
    %c0_i32 = arith.constant 0 : i32
    %c0_i32_0 = arith.constant 0 : i32
    %c0_i32_1 = arith.constant 0 : i32
    return %c0_i32, %arg0, %c0_i32_0 : i32, i32, i32
  }
  func.func @transform_3(%arg0: i32) -> (i32, i32) {
    %c0_i32 = arith.constant 0 : i32
    %c0_i32_0 = arith.constant 0 : i32
    return %arg0, %c0_i32 : i32, i32
  }
}

</mosaic_0001>

<sc_bundles>
// kernel: kernel.6.cloned.1.call-start
scs
__scs_entry_jumppad:
0x0: {  	(pc) =	sbr.rel $0x88, $3  }
0x1: {  	(tag) =	ssettag $0x0;
	lr =	simm.s32 $0x1  }
0x2: {  	[smem:$0x3F9B] =	sst lr;
	_ =	strace $0xD0000000  }
0x3: {  	_ = 	snop  }
0x4: {  	_ = 	snop  }
0x5: {  	_ = 	snop  }
0x6: {  	_ = 	snop  }
0x7: {  	_ = 	snop  }
__scs_overlays_trampoline_lowered:
0x8: {  	[smem:$0x3FAA] =	sst s0  }
0x9: {  	[smem:$0x3FAB] =	sst s1  }
0xa: {  	[smem:$0x3FAC] =	sst s2  }
0xb: {  	[smem:$0x3FAD] =	sst s3  }
0xc: {  	[smem:$0x3FAE] =	sst s4  }
0xd: {  	[smem:$0x3FAF] =	sst s5  }
0xe: {  	[smem:$0x3FB0] =	sst s6  }
0xf: {  	[smem:$0x3FB1] =	sst s7  }
0x10: {  	[smem:$0x3FB2] =	sst s8  }
0x11: {  	[smem:$0x3FB3] =	sst s9;
	s0 =	simm.s32 @!p0 $0x0  }
0x12: {  	s1 =	sld [smem:$0x3F99];
	s0 =	simm.s32 @p0 $0x1  }
0x13: {  	[smem:$0x3FB4] =	sst s0;
	s0 =	simm.s32 @!p1 $0x0  }
0x14: {  	s2 =	sld [smem:$0x3F98];
	s0 =	simm.s32 @p1 $0x1  }
0x15: {  	[smem:$0x3FB5] =	sst s0;
	s0 =	simm.s32 @!p2 $0x0  }
0x16: {  	s3 =	sld [smem:$0x3FDB];
	s0 =	simm.s32 @p2 $0x1  }
0x17: {  	s4 =	simm.s32 $0x1BF5;
	[smem:$0x3FB7] =	sst s0  }
0x18: {  	s0 =	sld [smem:$0x3F9A];
	_ =	swait.ge [sflag:s4], $0x0  }
0x19: {  	s7 =	sld [smem:$0x3F9B]  }
0x1a: {  	s8 =	sadd.s32 $0xFFFFE003, lr  }
0x1b: {  	s9 =	sadd.s32 $0xFFFFFEF7, lr;
	s5 =	simm.s32 $0xFFFFFFFF;
	p2 =	slt.u32 s8, $0xFFFFF086  }
0x1c: {  	p1 =	slt.u32 s9, $0xF7A;
	s5 =	simm.s32 @!p2 $0x0  }
0x1d: {  	s5 =	simm.s32 @p1 $0x1;
	p0 =	seq.s32 s7, s2  }
0x1e: {  	s7 =	smul.u32 @!p0 $0xF7A, s2;
	p2 =	seq.s32 @!p0 s5, $0x0  }
0x1f: {  	s9 =	smul.u32 $0xF7A, s1;
	s8 =	simm.s32 @!p0 $0x1BF5;
	p2 =	por !p2, p0  }
0x20: {  	[sflag:s8] =	ssyncset.s32 @!p0 $0xFFFFF086;
	s6 =	sadd.s32 @!p0 s3, s7;
	s7 =	simm.s32 @!p0 $0x108  }
0x21: {  	s3 =	sadd.s32 s3, s9;
	s6 =	sadd.s32 @!p0 $0x88, s6;
	s7 =	simm.s32 @p2 $0x1082  }
0x22: {  	[simem:s7], [sflag:s8] =	dma.local @!p0 [hbm:s6], $0xF7A  }
0x23: {  	s9 =	sor.u32 $0xD0000000, s2;
	s6 =	simm.s32 $0x108;
	_ =	swait.ge @!p0 [sflag:s8], $0x0  }
0x24: {  	s3 =	sadd.s32 $0x88, s3;
	s6 =	simm.s32 @!p1 $0x1082;
	[sflag:s4] =	ssyncset.s32 $0xFFFFF086  }
0x25: {  	[simem:s6], [sflag:s4] =	dma.local [hbm:s3], $0xF7A  }
0x26: {  	[smem:$0x3F9B] =	sst s1;
	(tag) =	ssettag s2;
	_ =	strace s9  }
0x27: {  	s1 =	sld [smem:$0x3FAB]  }
0x28: {  	s2 =	sld [smem:$0x3FAC]  }
0x29: {  	s4 =	sld [smem:$0x3FAE]  }
0x2a: {  	p0 =	seq.s32 s5, $0x0;
	s5 =	sld [smem:$0x3FAF]  }
0x2b: {  	s6 =	sld [smem:$0x3FB0]  }
0x2c: {  	s7 =	sld [smem:$0x3FB1]  }
0x2d: {  	s3 =	simm.s32 $0x108;
	s8 =	sld [smem:$0x3FB2]  }
0x2e: {  	s3 =	simm.s32 @!p0 $0x1082;
	s9 =	sld [smem:$0x3FB3]  }
0x2f: {  	lr =	sadd.s32 s0, s3;
	s0 =	sld [smem:$0x3FAA]  }
0x30: {  	s3 =	sld [smem:$0x3FAD]  }
0x31: {  	[smem:$0x3FB6] =	sst s10  }
0x32: {  	s10 =	sld [smem:$0x3FB4];
	_ =	sdelay $0x3  }
0x33: {  	p0 =	seq.s32 s10, $0x1;
	s10 =	sld [smem:$0x3FB6];
	_ =	sdelay $0x3  }
0x34: {  	[smem:$0x3FB6] =	sst s10  }
0x35: {  	s10 =	sld [smem:$0x3FB5];
	_ =	sdelay $0x3  }
0x36: {  	p1 =	seq.s32 s10, $0x1;
	s10 =	sld [smem:$0x3FB6];
	_ =	sdelay $0x3  }
0x37: {  	[smem:$0x3FB6] =	sst s10  }
0x38: {  	s10 =	sld [smem:$0x3FB7]  }
0x39: {  	_ = 	snop;
	(pc) =	sbr.ind lr, $3  }
0x3a: {  	_ = 	snop  }
0x3b: {  	_ = 	snop  }
0x3c: {  	p2 =	seq.s32 s10, $0x1;
	s10 =	sld [smem:$0x3FB6]  }
0x3d: {  	_ =	shalt  }
0x3e: {  	_ =	shalt  }
0x3f: {  	_ =	shalt  }
0x40: {  	_ =	shalt  }
0x41: {  	_ =	shalt  }
0x42: {  	_ =	shalt  }
0x43: {  	_ =	shalt  }
0x44: {  	_ =	shalt  }
0x45: {  	_ =	shalt  }
0x46: {  	_ =	shalt  }
0x47: {  	_ =	shalt  }
0x48: {  	_ =	shalt  }
0x49: {  	_ =	shalt  }
0x4a: {  	_ =	shalt  }
0x4b: {  	_ =	shalt  }
0x4c: {  	_ =	shalt  }
0x4d: {  	_ =	shalt  }
0x4e: {  	_ =	shalt  }
0x4f: {  	_ =	shalt  }
0x50: {  	_ =	shalt  }
0x51: {  	_ =	shalt  }
0x52: {  	_ =	shalt  }
0x53: {  	_ =	shalt  }
0x54: {  	_ =	shalt  }
0x55: {  	_ =	shalt  }
0x56: {  	_ =	shalt  }
0x57: {  	_ =	shalt  }
0x58: {  	_ =	shalt  }
0x59: {  	_ =	shalt  }
0x5a: {  	_ =	shalt  }
0x5b: {  	_ =	shalt  }
0x5c: {  	_ =	shalt  }
0x5d: {  	_ =	shalt  }
0x5e: {  	_ =	shalt  }
0x5f: {  	_ =	shalt  }
0x60: {  	_ =	shalt  }
0x61: {  	_ =	shalt  }
0x62: {  	_ =	shalt  }
0x63: {  	_ =	shalt  }
0x64: {  	_ =	shalt  }
0x65: {  	_ =	shalt  }
0x66: {  	_ =	shalt  }
0x67: {  	_ =	shalt  }
0x68: {  	_ =	shalt  }
0x69: {  	_ =	shalt  }
0x6a: {  	_ =	shalt  }
0x6b: {  	_ =	shalt  }
0x6c: {  	_ =	shalt  }
0x6d: {  	_ =	shalt  }
0x6e: {  	_ =	shalt  }
0x6f: {  	_ =	shalt  }
0x70: {  	_ =	shalt  }
0x71: {  	_ =	shalt  }
0x72: {  	_ =	shalt  }
0x73: {  	_ =	shalt  }
0x74: {  	_ =	shalt  }
0x75: {  	_ =	shalt  }
0x76: {  	_ =	shalt  }
0x77: {  	_ =	shalt  }
0x78: {  	_ =	shalt  }
0x79: {  	_ =	shalt  }
0x7a: {  	_ =	shalt  }
0x7b: {  	_ =	shalt  }
0x7c: {  	_ =	shalt  }
0x7d: {  	_ =	shalt  }
0x7e: {  	_ =	shalt  }
0x7f: {  	_ =	shalt  }
0x80: {  	_ =	shalt  }
0x81: {  	_ =	shalt  }
0x82: {  	_ =	shalt  }
0x83: {  	_ =	shalt  }
0x84: {  	_ =	shalt  }
0x85: {  	_ =	shalt  }
0x86: {  	_ =	shalt  }
0x87: {  	_ =	shalt  }
.Lfunc_end0:
.L_simem_size_0:
called_computation_lowered:
.L_overlay_start_0:
0x88: {  	s2 =	sld [smem:$0x3FD9]  }
0x89: {  	s3 =	sld [smem:$0x3FFE];
	_ =	sdelay $0x1  }
0x8a: {  	s1 =	srdreg.scid  }
0x8b: {  	s0 =	sand.u32 $0x1, s1  }
0x8c: {  	s17 =	sshll.u32 s0, $0xA;
	s2 =	sadd.s32 s3, s2  }
0x8d: {  	s2 =	sadd.s32 s2, s17  }
0x8e: {  	[smem:$0x3FC2] =	sst s2  }
0x8f: {  	_ = 	snop  }
0x90: {  	s2 =	sld [smem:$0x3FC7]  }
0x91: {  	s18 =	sld [smem:$0x3FD0];
	(tm) =	ssettm $0x1  }
0x92: {  	s4 =	sld [smem:$0x3FFB];
	_ =	sdelay $0x3  }
0x93: {  	_ =	strace s4  }
0x94: {  	s4 =	sld [smem:$0x3FFC];
	_ =	sdelay $0x3  }
0x95: {  	_ =	strace s4  }
0x96: {  	s4 =	sld [smem:$0x3FFD];
	_ =	sdelay $0x3  }
0x97: {  	_ =	strace s4  }
0x98: {  	_ =	strace $0x8FFFFFFF  }
0x99: {  	s19 =	sld [smem:$0x3FDB];
	_ =	sdelay $0x1  }
0x9a: {  	s5 =	simm.s32 $_scs_section_size  }
0x9b: {  	s6 =	simm.s32 $_size__tile_overlayer_lowered;
	s7 =	simm.s32 $_tile_overlayer_lowered  }
0x9c: {  	s22 =	simm.s32 $0x1BFF;
	s21 =	sshll.u32 s7, $0x1;
	s4 =	sadd.s32 s5, s19  }
0x9d: {  	s8 =	simm.s32 $0x0;
	s20 =	sshll.u32 s6, $0x1;
	s6 =	sadd.s32 s21, s4  }
0x9e: {  	[timem:s8], [sflag:s22] =	dma.local [hbm:s6], s20  }
0x9f: {  	_ =	swait.ge [sflag:s22], s20  }
0xa0: {  	s5 =	ssub.s32 $0x0, s20;
	[sflag:s22] =	ssyncset.done $0x0  }
0xa1: {  	[sflag:s22] =	ssyncadd.s32 s5;
	_ =	sdelay $0x1  }
0xa2: {  	s23 =	simm.s32 $0x1B8B  }
0xa3: {  	_ =	swait.ge [sflag:s23], $0x1  }
0xa4: {  	[sflag:s23] =	ssyncset.done $0x0  }
0xa5: {  	s25 =	simm.s32 $0x1B8E;
	s24 =	sld [smem:$0x3FFE];
	[sflag:s23] =	ssyncadd.s32 $0xFFFFFFFF  }
0xa6: {  	s26 =	simm.s32 $execute0_lowered;
	[smem:$0x3FD2] =	sst s25  }
0xa7: {  	s6 =	sshll.u32 s26, $0x1;
	_ =	strace $0x80000046;
	[dreg:$0x1] =	wrdreg $0xFFFFFFFF  }
0xa8: {  	s28 =	simm.s32 $_size_execute0_lowered;
	s4 =	sadd.s32 s4, s6;
	[dreg:$0x0] =	wrdreg $0x0  }
0xa9: {  	s6 =	sshll.u32 s28, $0x1;
	[dreg:$0x2] =	wrdreg s4  }
0xaa: {  	[dreg:$0x3] =	wrdreg s6  }
0xab: {  	[dreg:$0x4] =	wrdreg $0xC0  }
0xac: {  	_ =	task [dreg:s8], $0x5FFFF  }
0xad: {  	[dreg:$0x1] =	wrdreg $0xFFFFFFFF  }
0xae: {  	[dreg:$0x0] =	wrdreg $0x60  }
0xaf: {  	[dreg:$0x2] =	wrdreg s24  }
0xb0: {  	[dreg:$0x3] =	wrdreg s2  }
0xb1: {  	[dreg:$0x4] =	wrdreg s18  }
0xb2: {  	[dreg:$0x5] =	wrdreg $0xA8000  }
0xb3: {  	[dreg:$0x6] =	wrdreg $0x9  }
0xb4: {  	_ =	task.clear_ibuf [dreg:s8], $0x7FFFF;
	_ =	strace $0x90000046  }
0xb5: {  	s29 =	simm.s32 $0x9;
	_ =	strace $0x80000048  }
0xb6: {  	_ =	swait.ge [sflag:s29], $0x1  }
0xb7: {  	[sflag:s29] =	ssyncadd.s32 $0xFFFFFFFF  }
0xb8: {  	_ =	strace $0x90000048  }
0xb9: {  	_ =	sfence  }
0xba: {  	s30 =	sld [smem:$0x0];
	_ =	sdelay $0x2  }
0xbb: {  	s31 =	sshll.u32 s1, $0xD;
	s1 =	sshrl.u32 s1, $0x2  }
0xbc: {  	s3 =	sand.u32 $0x4000, s31;
	s1 =	sadd.s32 s1, s30  }
0xbd: {  	s0 =	sor.u32 s3, s0;
	s1 =	sshll.u32 s1, $0x11  }
0xbe: {  	s0 =	sor.u32 s1, s0  }
0xbf: {  	s0 =	sadd.s32 $0x8F2B, s0  }
0xc0: {  	[sflag:s0] =	ssyncadd.remote.s32 $0x1  }
0xc1: {  	_ =	sfence.sel $0xFFFF  }
0xc2: {  	[dreg:$0x0] =	wrdreg $0xFFFFFFFF;
	(pc) =	sbr.abs _section_cstart, $3  }
0xc3: {  	[dreg:$0x1] =	wrdreg $0xFFFFFFFF  }
0xc4: {  	_ =	task.clear_ibuf [dreg:s8], $0x2FFFF;
	_ =	strace $0x9FFFFFFF  }
0xc5: {  	(tm) =	ssettm $0x7FFFFFFF  }
tec
execute0_lowered:
.L_overlay_start_1:
0x0: {  	(tag) =	ssettag $0x1  }
0x1: {  	s1 =	rddreg [dreg:$0x0]  }
0x2: {  	s0 =	rddreg [dreg:$0x1]  }
0x3: {  	s3 =	rddreg [dreg:$0x2]  }
0x4: {  	s4 =	srdreg.scid;
	s8 =	stileid.u32  }
0x5: {  	s2 =	rddreg [dreg:$0x3];
	s5 =	simm.s32 $0x0;
	s17 =	simm.s32 $0x4  }
0x6: {  	s18 =	simm.s32 $0x2780;
	s19 =	simm.s32 $0x4F00;
	s20 =	simm.s32 $0x50  }
0x7: {  	s21 =	simm.s32 $0x5800;
	s22 =	simm.s32 $0x3;
	s23 =	simm.s32 $0x8000  }
0x8: {  	s28 =	simm.s32 $0x5780;
	s29 =	simm.s32 $0x0;
	s6 =	sand.u32 $0x1, s4  }
0x9: {  	s24 =	sshll.u32 s8, $0x1;
	[smem:$0x7FF] =	sst s5;
	s5 =	sadd.s32 $0x15800, s1  }
0xa: {  	s10 =	smul.u32 $0x4E000, s8;
	s16 =	sadd.s32 $0x138000, s2;
	p0 =	sne.s32 s8, $0x0  }
0xb: {  	s4 =	sor.u32 s6, s24;
	_ =	strace $0x80000047;
	s9 =	smul.u32 $0x27100, s6  }
0xc: {  	s25 =	ssub.s32 $0x2, s6;
	s6 =	smul.u32 $0x2700, s8;
	s16 =	sshrl.u32 @!p0 s16, $0x3  }
0xd: {  	s24 =	simm.s32 $0x1;
	s4 =	smul.u32 $0x2710, s4;
	s26 =	sshrl.u32 s25, $0x1  }
0xe: {  	s30 =	sshrl.u32 s10, $0x2;
	s10 =	sadd.s32 $0x27000, s3;
	s14 =	ssub.s32 s25, s26  }
0xf: {  	s15 =	sadd.s32 s30, s2;
	s31 =	sadd.s32 s3, s6;
	s25 =	simm.s32 $0x5700  }
0x10: {  	s26 =	simm.s32 $0x2;
	s7 =	sshrl.u32 s4, $0x3;
	[dreg:$0x5] =	wrdreg s31  }
0x11: {  	s14 =	smax.u32 s14, $0x1;
	s12 =	sadd.s32 s7, s1;
	s7 =	sshll.u32 s8, $0x6  }
0x12: {  	s15 =	sshrl.u32 s15, $0x3;
	s1 =	sadd.s32 s9, s1;
	s9 =	sor.u32 $0x1C03, s7  }
0x13: {  	s11 =	sadd.s32 $0x1C00, s12;
	s12 =	sadd.s32 $0xBA00, s12;
	s13 =	sadd.s32 $0x14E000, s1  }
.LBB2_1:
0x14: {  	s1 =	rddreg [dreg:$0x5];
	s31 =	simm.s32 $0x0  }
0x15: {  	[spmem:s15], [sflag:s9] =	dma.local [hbm:s1], $0x2700  }
0x16: {  	[spmem:s16], [sflag:s9] =	dma.local @!p0 [hbm:s10], $0x100  }
0x17: {  	[tilespmem:s31], [sflag:$0x4] =	stream.linear.gather [hbm4b:s11+s31], $0x2710, $0x38;
	[tilespmem:$0x1E080] =	vst v63  }
0x18: {  	_ =	swait.ge [sflag:s17], $0x2710  }
0x19: {  	[sflag:s17] =	ssyncset.done $0x0  }
0x1a: {  	[sflag:s17] =	ssyncadd.s32 $0xFFFFD8F0  }
0x1b: {  	[tilespmem:s18], [sflag:$0x4] =	stream.linear.gather [hbm4b:s12+s31], $0x2710, $0x38;
	[tilespmem:$0x1E080] =	vst v63  }
0x1c: {  	_ =	swait.ge [sflag:s17], $0x2710  }
0x1d: {  	[sflag:s17] =	ssyncset.done $0x0  }
0x1e: {  	s3 =	simm.s32 $0x0;
	s1 =	simm.s32 $0x27C0;
	[sflag:s17] =	ssyncadd.s32 $0xFFFFD8F0  }
.LBB2_2:
0x1f: {  	s8 =	smul.u32 $0x7D0, s3;
	_ =	sdelay $0x1  }
0x20: {  	s8 =	sadd.s32 s4, s8  }
0x21: {  	s8 =	sshrl.u32 s8, $0x3  }
0x22: {  	s30 =	simm.s32 $0x0;
	s8 =	sadd.s32 s0, s8  }
0x23: {  	[tilespmem:s19], [sflag:$0x4] =	stream.linear.gather [hbm4b:s8+s30], $0x7D0, $0x38;
	[tilespmem:$0x1E080] =	vst v63  }
0x24: {  	v0 =	vmov s1;
	_ =	swait.ge [sflag:s17], $0x7D0  }
0x25: {  	[sflag:s17] =	ssyncset.done $0x0  }
0x26: {  	s30 =	simm.s32 $0x0;
	[sflag:s17] =	ssyncadd.s32 $0xFFFFF830  }
0x27: {  	v1 =	vld [tilespmem:s30+$0x4F00];
	_ =	sdelay $0x1  }
0x28: {  	v2 =	vld.idx.msk [tilespmem:v0+s30+$0xFFFFFFC0 ss:$0x1], $0xffff;
	_ =	sdelay $0x2  }
0x29: {  	v1 =	vmul.u32 $0x2710, v1;
	_ =	sdelay $0x1  }
0x2a: {  	v1 =	vadd.s32 v2, v1  }
0x2b: {  	[tilespmem:v0+s30+$0xFFFFFFC0 ss:$0x1] =	vst.idx.msk $0xffff, v1  }
0x2c: {  	v1 =	vld [tilespmem:s30+$0x4F10];
	_ =	sdelay $0x1  }
0x2d: {  	v2 =	vld.idx.msk [tilespmem:v0+s30+$0xFFFFFFD0 ss:$0x1], $0xffff;
	_ =	sdelay $0x2  }
0x2e: {  	v1 =	vmul.u32 $0x2710, v1;
	_ =	sdelay $0x1  }
0x2f: {  	v1 =	vadd.s32 v2, v1  }
0x30: {  	[tilespmem:v0+s30+$0xFFFFFFD0 ss:$0x1] =	vst.idx.msk $0xffff, v1  }
0x31: {  	v1 =	vld [tilespmem:s30+$0x4F20];
	_ =	sdelay $0x1  }
0x32: {  	v2 =	vld.idx.msk [tilespmem:v0+s30+$0xFFFFFFE0 ss:$0x1], $0xffff;
	_ =	sdelay $0x2  }
0x33: {  	v1 =	vmul.u32 $0x2710, v1;
	_ =	sdelay $0x1  }
0x34: {  	v1 =	vadd.s32 v2, v1  }
0x35: {  	[tilespmem:v0+s30+$0xFFFFFFE0 ss:$0x1] =	vst.idx.msk $0xffff, v1  }
0x36: {  	v1 =	vld [tilespmem:s30+$0x4F30];
	_ =	sdelay $0x1  }
0x37: {  	v2 =	vld.idx.msk [tilespmem:v0+s30+$0xFFFFFFF0 ss:$0x1], $0xffff;
	_ =	sdelay $0x2  }
0x38: {  	v1 =	vmul.u32 $0x2710, v1;
	_ =	sdelay $0x1  }
0x39: {  	v1 =	vadd.s32 v2, v1  }
0x3a: {  	[tilespmem:v0+s30+$0xFFFFFFF0 ss:$0x1] =	vst.idx.msk $0xffff, v1  }
0x3b: {  	v1 =	vld [tilespmem:s30+$0x4F40];
	_ =	sdelay $0x1  }
0x3c: {  	v2 =	vld.idx.msk [tilespmem:v0+s30+$0x0 ss:$0x1], $0xffff;
	_ =	sdelay $0x2  }
0x3d: {  	v1 =	vmul.u32 $0x2710, v1;
	_ =	sdelay $0x1  }
0x3e: {  	s31 =	simm.s32 $0x280;
	s8 =	simm.s32 $0x140;
	v1 =	vadd.s32 v2, v1  }
.LBB2_3:
0x3f: {  	p1 =	sne.s32 s31, $0x1E00  }
0x40: {  	[tilespmem:v0+s30+$0x0 ss:$0x1] =	vst.idx.msk $0xffff, v1;
	s30 =	sshra.s32 s8, $0x2;
	s8 =	smov.u32 s31;
	s31 =	sadd.s32 $0x140, s31  }
0x41: {  	v1 =	vld [tilespmem:s30+$0x4F00]  }
0x42: {  	v2 =	vld.idx.msk [tilespmem:v0+s30+$0xFFFFFFC0 ss:$0x1], $0xffff;
	_ =	sdelay $0x3  }
0x43: {  	v1 =	vmul.u32 $0x2710, v1;
	_ =	sdelay $0x1  }
0x44: {  	v1 =	vadd.s32 v2, v1  }
0x45: {  	[tilespmem:v0+s30+$0xFFFFFFC0 ss:$0x1] =	vst.idx.msk $0xffff, v1  }
0x46: {  	v1 =	vld [tilespmem:s30+$0x4F10]  }
0x47: {  	v2 =	vld.idx.msk [tilespmem:v0+s30+$0xFFFFFFD0 ss:$0x1], $0xffff;
	_ =	sdelay $0x3  }
0x48: {  	v1 =	vmul.u32 $0x2710, v1;
	_ =	sdelay $0x1  }
0x49: {  	v1 =	vadd.s32 v2, v1  }
0x4a: {  	[tilespmem:v0+s30+$0xFFFFFFD0 ss:$0x1] =	vst.idx.msk $0xffff, v1  }
0x4b: {  	v1 =	vld [tilespmem:s30+$0x4F20]  }
0x4c: {  	v2 =	vld.idx.msk [tilespmem:v0+s30+$0xFFFFFFE0 ss:$0x1], $0xffff;
	_ =	sdelay $0x3  }
0x4d: {  	v1 =	vmul.u32 $0x2710, v1;
	_ =	sdelay $0x1  }
0x4e: {  	v1 =	vadd.s32 v2, v1  }
0x4f: {  	[tilespmem:v0+s30+$0xFFFFFFE0 ss:$0x1] =	vst.idx.msk $0xffff, v1  }
0x50: {  	v1 =	vld [tilespmem:s30+$0x4F30]  }
0x51: {  	v2 =	vld.idx.msk [tilespmem:v0+s30+$0xFFFFFFF0 ss:$0x1], $0xffff;
	_ =	sdelay $0x3  }
0x52: {  	v1 =	vmul.u32 $0x2710, v1;
	_ =	sdelay $0x1  }
0x53: {  	v1 =	vadd.s32 v2, v1  }
0x54: {  	[tilespmem:v0+s30+$0xFFFFFFF0 ss:$0x1] =	vst.idx.msk $0xffff, v1  }
0x55: {  	v1 =	vld [tilespmem:s30+$0x4F40]  }
0x56: {  	v2 =	vld.idx.msk [tilespmem:v0+s30+$0x0 ss:$0x1], $0xffff;
	_ =	sdelay $0x1  }
.Ltmp0:
0x57: {  	(pc) =	sbr.rel @p1 .LBB2_3-.Ltmp0, $3  }
0x58: {  	_ = 	snop  }
0x59: {  	v1 =	vmul.u32 $0x2710, v1;
	_ =	sdelay $0x1  }
0x5a: {  	v1 =	vadd.s32 v2, v1  }
0x5b: {  	_ =	sdelay $0x3  }
0x5c: {  	s8 =	sshra.s32 s8, $0x2;
	[tilespmem:v0+s30+$0x0 ss:$0x1] =	vst.idx.msk $0xffff, v1  }
0x5d: {  	v1 =	vld [tilespmem:s8+$0x4F00];
	_ =	sdelay $0x1  }
0x5e: {  	v2 =	vld.idx.msk [tilespmem:v0+s8+$0xFFFFFFC0 ss:$0x1], $0xffff;
	_ =	sdelay $0x2  }
0x5f: {  	v1 =	vmul.u32 $0x2710, v1;
	_ =	sdelay $0x1  }
0x60: {  	v1 =	vadd.s32 v2, v1  }
0x61: {  	[tilespmem:v0+s8+$0xFFFFFFC0 ss:$0x1] =	vst.idx.msk $0xffff, v1  }
0x62: {  	v1 =	vld [tilespmem:s8+$0x4F10];
	_ =	sdelay $0x1  }
0x63: {  	v60 =	vld.idx.msk [tilespmem:v0+s8+$0xFFFFFFD0 ss:$0x1], $0xffff;
	_ =	sdelay $0x2  }
0x64: {  	v1 =	vmul.u32 $0x2710, v1;
	_ =	sdelay $0x1  }
0x65: {  	v1 =	vadd.s32 v60, v1  }
0x66: {  	[tilespmem:v0+s8+$0xFFFFFFD0 ss:$0x1] =	vst.idx.msk $0xffff, v1  }
0x67: {  	v1 =	vld [tilespmem:s8+$0x4F20];
	_ =	sdelay $0x1  }
0x68: {  	v61 =	vld.idx.msk [tilespmem:v0+s8+$0xFFFFFFE0 ss:$0x1], $0xffff;
	_ =	sdelay $0x2  }
0x69: {  	v1 =	vmul.u32 $0x2710, v1;
	_ =	sdelay $0x1  }
0x6a: {  	v1 =	vadd.s32 v61, v1  }
0x6b: {  	[tilespmem:v0+s8+$0xFFFFFFE0 ss:$0x1] =	vst.idx.msk $0xffff, v1  }
0x6c: {  	v1 =	vld [tilespmem:s8+$0x4F30];
	_ =	sdelay $0x1  }
0x6d: {  	v62 =	vld.idx.msk [tilespmem:v0+s8+$0xFFFFFFF0 ss:$0x1], $0xffff;
	_ =	sdelay $0x2  }
0x6e: {  	v1 =	vmul.u32 $0x2710, v1;
	_ =	sdelay $0x1  }
0x6f: {  	v1 =	vadd.s32 v62, v1  }
0x70: {  	[tilespmem:v0+s8+$0xFFFFFFF0 ss:$0x1] =	vst.idx.msk $0xffff, v1  }
0x71: {  	v1 =	vld [tilespmem:s8+$0x4F40];
	_ =	sdelay $0x1  }
0x72: {  	s3 =	sadd.s32 $0x1, s3;
	v63 =	vld.idx.msk [tilespmem:v0+s8+$0x0 ss:$0x1], $0xffff  }
0x73: {  	p1 =	sne.s32 s3, $0x5  }
.Ltmp1:
0x74: {  	_ = 	snop;
	(pc) =	sbr.rel @p1 .LBB2_2-.Ltmp1, $3  }
0x75: {  	v1 =	vmul.u32 $0x2710, v1;
	_ =	sdelay $0x1  }
0x76: {  	v1 =	vadd.s32 v63, v1  }
0x77: {  	s1 =	sadd.s32 $0x7D0, s1;
	[tilespmem:v0+s8+$0x0 ss:$0x1] =	vst.idx.msk $0xffff, v1  }
0x78: {  	[tilespmem:s21], [sflag:$0x1] =	stream.indirect.gather [hbm4b:s5+s20], $0x80, s18, s20, $0xb8;
	[tilespmem:$0x1E080] =	vst v63  }
0x79: {  	_ =	swait.ge [sflag:s22], $0x2700  }
0x7a: {  	[sflag:s22] =	ssyncset.done $0x0  }
0x7b: {  	s1 =	simm.s32 @!p0 $0x3;
	[sflag:s22] =	ssyncadd.s32 $0xFFFFD900  }
0x7c: {  	_ =	swait.ge @!p0 [sflag:s1], $0x100  }
0x7d: {  	[sflag:s1] =	ssyncset.done @!p0 $0x0  }
0x7e: {  	[sflag:s1] =	ssyncadd.s32 @!p0 $0xFFFFFF00  }
0x7f: {  	s3 =	simm.s32 $0x27D0;
	s1 =	simm.s32 $0x0;
	[bflag:$0x0] =	sbarrier.arrive $0xFFFF  }
0x80: {  	[tilespmem:s23], [sflag:$0x2] =	stream.indirect.gather [hbm4b:s5+s20], $0x80, s3, s20, $0xb8;
	[tilespmem:$0x1E080] =	vst v63  }
0x81: {  	v0 =	vld [tilespmem:s1+$0x0];
	_ =	sdelay $0x4  }
0x82: {  	[tilespmem:$0x5700] =	vst v0  }
0x83: {  	v0 =	vld [tilespmem:s1+$0x10];
	_ =	sdelay $0x4  }
0x84: {  	[tilespmem:$0x5710] =	vst v0  }
0x85: {  	v0 =	vld [tilespmem:s1+$0x20];
	_ =	sdelay $0x4  }
0x86: {  	[tilespmem:$0x5720] =	vst v0  }
0x87: {  	v0 =	vld [tilespmem:s1+$0x30];
	_ =	sdelay $0x4  }
0x88: {  	[tilespmem:$0x5730] =	vst v0  }
0x89: {  	v0 =	vld [tilespmem:s1+$0x40];
	_ =	sdelay $0x4  }
0x8a: {  	[tilespmem:$0x5740] =	vst v0  }
0x8b: {  	_ =	swait.ge [sflag:s24], $0x2800  }
0x8c: {  	[sflag:s24] =	ssyncset.done $0x0  }
0x8d: {  	[sflag:s24] =	ssyncadd.s32 $0xFFFFD800  }
0x8e: {  	[spmem:s2] =	stream.indirect.scatter.add.f32 [tilespmem:s21], [sflag:$0x4], $0x80, s25, s20, $0xb8;
	[tilespmem:$0x1E080] =	vst v63  }
0x8f: {  	_ =	swait.ge [sflag:s17], $0x2800  }
0x90: {  	[sflag:s17] =	ssyncset.done $0x0  }
0x91: {  	s18 =	simm.s32 $0x2820;
	[sflag:s17] =	ssyncadd.s32 $0xFFFFD800  }
0x92: {  	[tilespmem:s21], [sflag:$0x1] =	stream.indirect.gather [hbm4b:s5+s20], $0x80, s18, s20, $0xb8;
	[tilespmem:$0x1E080] =	vst v63  }
0x93: {  	v61 =	vld [tilespmem:s1+$0x50];
	_ =	sdelay $0x4  }
0x94: {  	[tilespmem:$0x5780] =	vst v61  }
0x95: {  	v0 =	vld [tilespmem:s1+$0x60];
	_ =	sdelay $0x4  }
0x96: {  	[tilespmem:$0x5790] =	vst v0  }
0x97: {  	v0 =	vld [tilespmem:s1+$0x70];
	_ =	sdelay $0x3  }
0x98: {  	s8 =	simm.s32 $0x0  }
0x99: {  	s3 =	sand.u32 $0x3FC0, s8;
	[tilespmem:$0x57A0] =	vst v0  }
0x9a: {  	v0 =	vld [tilespmem:s3+$0x80];
	_ =	sdelay $0x4  }
0x9b: {  	[tilespmem:$0x57B0] =	vst v0  }
0x9c: {  	v0 =	vld [tilespmem:s1+$0x90];
	_ =	sdelay $0x4  }
0x9d: {  	[tilespmem:$0x57C0] =	vst v0  }
0x9e: {  	_ =	swait.ge [sflag:s26], $0x2800  }
0x9f: {  	[sflag:s26] =	ssyncset.done $0x0  }
0xa0: {  	[sflag:s26] =	ssyncadd.s32 $0xFFFFD800  }
0xa1: {  	[spmem:s2] =	stream.indirect.scatter.add.f32 [tilespmem:s23], [sflag:$0x4], $0x80, s28, s20, $0xb8;
	[tilespmem:$0x1E080] =	vst v63  }
0xa2: {  	_ =	swait.ge [sflag:s17], $0x2800  }
0xa3: {  	[sflag:s17] =	ssyncset.done $0x0  }
0xa4: {  	s8 =	simm.s32 $0x2870;
	[sflag:s17] =	ssyncadd.s32 $0xFFFFD800  }
0xa5: {  	[tilespmem:s23], [sflag:$0x2] =	stream.indirect.gather [hbm4b:s5+s20], $0x80, s8, s20, $0xb8;
	[tilespmem:$0x1E080] =	vst v63  }
0xa6: {  	v62 =	vld [tilespmem:s1+$0xA0];
	_ =	sdelay $0x4  }
0xa7: {  	[tilespmem:$0x5700] =	vst v62  }
0xa8: {  	v0 =	vld [tilespmem:s1+$0xB0];
	_ =	sdelay $0x4  }
0xa9: {  	[tilespmem:$0x5710] =	vst v0  }
0xaa: {  	v0 =	vld [tilespmem:s1+$0xC0];
	_ =	sdelay $0x4  }
0xab: {  	[tilespmem:$0x5720] =	vst v0  }
0xac: {  	v0 =	vld [tilespmem:s1+$0xD0];
	_ =	sdelay $0x4  }
0xad: {  	[tilespmem:$0x5730] =	vst v0  }
0xae: {  	v0 =	vld [tilespmem:s1+$0xE0];
	_ =	sdelay $0x4  }
0xaf: {  	[tilespmem:$0x5740] =	vst v0  }
0xb0: {  	_ =	swait.ge [sflag:s24], $0x2800  }
0xb1: {  	[sflag:s24] =	ssyncset.done $0x0  }
0xb2: {  	[sflag:s24] =	ssyncadd.s32 $0xFFFFD800  }
0xb3: {  	[spmem:s2] =	stream.indirect.scatter.add.f32 [tilespmem:s21], [sflag:$0x4], $0x80, s25, s20, $0xb8;
	[tilespmem:$0x1E080] =	vst v63  }
0xb4: {  	_ =	swait.ge [sflag:s17], $0x2800  }
0xb5: {  	[sflag:s17] =	ssyncset.done $0x0  }
0xb6: {  	s18 =	simm.s32 $0x28C0;
	[sflag:s17] =	ssyncadd.s32 $0xFFFFD800  }
0xb7: {  	[tilespmem:s21], [sflag:$0x1] =	stream.indirect.gather [hbm4b:s5+s20], $0x80, s18, s20, $0xb8;
	[tilespmem:$0x1E080] =	vst v63  }
0xb8: {  	v63 =	vld [tilespmem:s1+$0xF0];
	_ =	sdelay $0x4  }
0xb9: {  	[tilespmem:$0x5780] =	vst v63  }
0xba: {  	v0 =	vld [tilespmem:s3+$0x100];
	_ =	sdelay $0x4  }
0xbb: {  	[tilespmem:$0x5790] =	vst v0  }
0xbc: {  	v0 =	vld [tilespmem:s1+$0x110];
	_ =	sdelay $0x4  }
0xbd: {  	[tilespmem:$0x57A0] =	vst v0  }
0xbe: {  	v0 =	vld [tilespmem:s1+$0x120];
	_ =	sdelay $0x4  }
0xbf: {  	[tilespmem:$0x57B0] =	vst v0  }
0xc0: {  	v0 =	vld [tilespmem:s1+$0x130];
	_ =	sdelay $0x4  }
0xc1: {  	[tilespmem:$0x57C0] =	vst v0  }
0xc2: {  	_ =	swait.ge [sflag:s26], $0x2800  }
0xc3: {  	[sflag:s26] =	ssyncset.done $0x0  }
0xc4: {  	[sflag:s26] =	ssyncadd.s32 $0xFFFFD800  }
0xc5: {  	[spmem:s2] =	stream.indirect.scatter.add.f32 [tilespmem:s23], [sflag:$0x4], $0x80, s28, s20, $0xb8;
	[tilespmem:$0x1E080] =	vst v63  }
0xc6: {  	s30 =	simm.s32 $0x140;
	_ =	swait.ge [sflag:s17], $0x2800  }
0xc7: {  	s31 =	simm.s32 $0x140;
	s8 =	simm.s32 $0xA00;
	[sflag:s17] =	ssyncset.done $0x0  }
.LBB2_6:
0xc8: {  	s18 =	sadd.s32 $0x27D0, s30  }
0xc9: {  	[sflag:s17] =	ssyncadd.s32 $0xFFFFD800;
	s3 =	smov.u32 s8;
	s1 =	sadd.s32 $0x500, s8  }
0xca: {  	[tilespmem:s23], [sflag:$0x2] =	stream.indirect.gather [hbm4b:s5+s20], $0x80, s18, s20, $0xb8;
	[tilespmem:$0x1E080] =	vst v63  }
0xcb: {  	p1 =	sne.s32 s8, $0x9600;
	v0 =	vld [tilespmem:s30+$0x0];
	_ =	sdelay $0x4  }
0xcc: {  	[tilespmem:$0x5700] =	vst v0  }
0xcd: {  	v0 =	vld [tilespmem:s30+$0x10];
	_ =	sdelay $0x4  }
0xce: {  	[tilespmem:$0x5710] =	vst v0  }
0xcf: {  	v0 =	vld [tilespmem:s30+$0x20];
	_ =	sdelay $0x4  }
0xd0: {  	[tilespmem:$0x5720] =	vst v0  }
0xd1: {  	v0 =	vld [tilespmem:s30+$0x30];
	_ =	sdelay $0x4  }
0xd2: {  	[tilespmem:$0x5730] =	vst v0  }
0xd3: {  	v0 =	vld [tilespmem:s30+$0x40];
	_ =	sdelay $0x4  }
0xd4: {  	[tilespmem:$0x5740] =	vst v0  }
0xd5: {  	_ =	swait.ge [sflag:s24], $0x2800  }
0xd6: {  	[sflag:s24] =	ssyncset.done $0x0  }
0xd7: {  	[sflag:s24] =	ssyncadd.s32 $0xFFFFD800  }
0xd8: {  	[spmem:s2] =	stream.indirect.scatter.add.f32 [tilespmem:s21], [sflag:$0x4], $0x80, s25, s20, $0xb8;
	[tilespmem:$0x1E080] =	vst v63  }
0xd9: {  	_ =	swait.ge [sflag:s17], $0x2800  }
0xda: {  	[sflag:s17] =	ssyncset.done $0x0  }
0xdb: {  	s8 =	sadd.s32 $0x2820, s30;
	[sflag:s17] =	ssyncadd.s32 $0xFFFFD800  }
0xdc: {  	[tilespmem:s21], [sflag:$0x1] =	stream.indirect.gather [hbm4b:s5+s20], $0x80, s8, s20, $0xb8;
	[tilespmem:$0x1E080] =	vst v63  }
0xdd: {  	v0 =	vld [tilespmem:s30+$0x50];
	_ =	sdelay $0x4  }
0xde: {  	[tilespmem:$0x5780] =	vst v0  }
0xdf: {  	v0 =	vld [tilespmem:s30+$0x60];
	_ =	sdelay $0x4  }
0xe0: {  	[tilespmem:$0x5790] =	vst v0  }
0xe1: {  	v0 =	vld [tilespmem:s30+$0x70];
	_ =	sdelay $0x4  }
0xe2: {  	s8 =	sand.u32 $0x3FC0, s31;
	[tilespmem:$0x57A0] =	vst v0  }
0xe3: {  	v0 =	vld [tilespmem:s8+$0x80];
	_ =	sdelay $0x4  }
0xe4: {  	[tilespmem:$0x57B0] =	vst v0  }
0xe5: {  	v0 =	vld [tilespmem:s30+$0x90];
	_ =	sdelay $0x4  }
0xe6: {  	[tilespmem:$0x57C0] =	vst v0  }
0xe7: {  	_ =	swait.ge [sflag:s26], $0x2800  }
0xe8: {  	[sflag:s26] =	ssyncset.done $0x0  }
0xe9: {  	[sflag:s26] =	ssyncadd.s32 $0xFFFFD800  }
0xea: {  	[spmem:s2] =	stream.indirect.scatter.add.f32 [tilespmem:s23], [sflag:$0x4], $0x80, s28, s20, $0xb8;
	[tilespmem:$0x1E080] =	vst v63  }
0xeb: {  	_ =	swait.ge [sflag:s17], $0x2800  }
0xec: {  	[sflag:s17] =	ssyncset.done $0x0  }
0xed: {  	s18 =	sadd.s32 $0x2870, s30;
	[sflag:s17] =	ssyncadd.s32 $0xFFFFD800  }
0xee: {  	[tilespmem:s23], [sflag:$0x2] =	stream.indirect.gather [hbm4b:s5+s20], $0x80, s18, s20, $0xb8;
	[tilespmem:$0x1E080] =	vst v63  }
0xef: {  	v0 =	vld [tilespmem:s30+$0xA0];
	_ =	sdelay $0x4  }
0xf0: {  	[tilespmem:$0x5700] =	vst v0  }
0xf1: {  	v0 =	vld [tilespmem:s30+$0xB0];
	_ =	sdelay $0x4  }
0xf2: {  	[tilespmem:$0x5710] =	vst v0  }
0xf3: {  	v0 =	vld [tilespmem:s30+$0xC0];
	_ =	sdelay $0x4  }
0xf4: {  	[tilespmem:$0x5720] =	vst v0  }
0xf5: {  	v0 =	vld [tilespmem:s30+$0xD0];
	_ =	sdelay $0x4  }
0xf6: {  	[tilespmem:$0x5730] =	vst v0  }
0xf7: {  	v0 =	vld [tilespmem:s30+$0xE0];
	_ =	sdelay $0x4  }
0xf8: {  	[tilespmem:$0x5740] =	vst v0  }
0xf9: {  	_ =	swait.ge [sflag:s24], $0x2800  }
0xfa: {  	[sflag:s24] =	ssyncset.done $0x0  }
0xfb: {  	[sflag:s24] =	ssyncadd.s32 $0xFFFFD800  }
0xfc: {  	[spmem:s2] =	stream.indirect.scatter.add.f32 [tilespmem:s21], [sflag:$0x4], $0x80, s25, s20, $0xb8;
	[tilespmem:$0x1E080] =	vst v63  }
0xfd: {  	_ =	swait.ge [sflag:s17], $0x2800  }
0xfe: {  	[sflag:s17] =	ssyncset.done $0x0  }
0xff: {  	s18 =	sadd.s32 $0x28C0, s30;
	[sflag:s17] =	ssyncadd.s32 $0xFFFFD800  }
0x100: {  	[tilespmem:s21], [sflag:$0x1] =	stream.indirect.gather [hbm4b:s5+s20], $0x80, s18, s20, $0xb8;
	[tilespmem:$0x1E080] =	vst v63  }
0x101: {  	v0 =	vld [tilespmem:s30+$0xF0];
	_ =	sdelay $0x4  }
0x102: {  	[tilespmem:$0x5780] =	vst v0  }
0x103: {  	v0 =	vld [tilespmem:s8+$0x100];
	_ =	sdelay $0x4  }
0x104: {  	[tilespmem:$0x5790] =	vst v0  }
0x105: {  	v0 =	vld [tilespmem:s30+$0x110];
	_ =	sdelay $0x4  }
0x106: {  	[tilespmem:$0x57A0] =	vst v0  }
0x107: {  	v0 =	vld [tilespmem:s30+$0x120];
	_ =	sdelay $0x4  }
0x108: {  	[tilespmem:$0x57B0] =	vst v0  }
0x109: {  	v0 =	vld [tilespmem:s30+$0x130];
	_ =	sdelay $0x4  }
0x10a: {  	[tilespmem:$0x57C0] =	vst v0  }
0x10b: {  	_ =	swait.ge [sflag:s26], $0x2800  }
.Ltmp2:
0x10c: {  	[sflag:s26] =	ssyncset.done $0x0;
	(pc) =	sbr.rel @p1 .LBB2_6-.Ltmp2, $4  }
0x10d: {  	[sflag:s26] =	ssyncadd.s32 $0xFFFFD800  }
0x10e: {  	[spmem:s2] =	stream.indirect.scatter.add.f32 [tilespmem:s23], [sflag:$0x4], $0x80, s28, s20, $0xb8;
	[tilespmem:$0x1E080] =	vst v63  }
0x10f: {  	s31 =	sadd.s32 $0x140, s31;
	_ =	swait.ge [sflag:s17], $0x2800  }
0x110: {  	s8 =	smov.u32 s1;
	s30 =	sshra.s32 s3, $0x2;
	[sflag:s17] =	ssyncset.done $0x0  }
0x111: {  	s1 =	sadd.s32 $0x27D0, s30;
	[sflag:s17] =	ssyncadd.s32 $0xFFFFD800  }
0x112: {  	[tilespmem:s23], [sflag:$0x2] =	stream.indirect.gather [hbm4b:s5+s20], $0x80, s1, s20, $0xb8;
	[tilespmem:$0x1E080] =	vst v63  }
0x113: {  	v0 =	vld [tilespmem:s30+$0x0];
	_ =	sdelay $0x4  }
0x114: {  	[tilespmem:$0x5700] =	vst v0  }
0x115: {  	v0 =	vld [tilespmem:s30+$0x10];
	_ =	sdelay $0x4  }
0x116: {  	[tilespmem:$0x5710] =	vst v0  }
0x117: {  	v0 =	vld [tilespmem:s30+$0x20];
	_ =	sdelay $0x4  }
0x118: {  	[tilespmem:$0x5720] =	vst v0  }
0x119: {  	v0 =	vld [tilespmem:s30+$0x30];
	_ =	sdelay $0x4  }
0x11a: {  	[tilespmem:$0x5730] =	vst v0  }
0x11b: {  	v0 =	vld [tilespmem:s30+$0x40];
	_ =	sdelay $0x4  }
0x11c: {  	[tilespmem:$0x5740] =	vst v0  }
0x11d: {  	_ =	swait.ge [sflag:s24], $0x2800  }
0x11e: {  	[sflag:s24] =	ssyncset.done $0x0  }
0x11f: {  	[sflag:s24] =	ssyncadd.s32 $0xFFFFD800  }
0x120: {  	[spmem:s2] =	stream.indirect.scatter.add.f32 [tilespmem:s21], [sflag:$0x4], $0x80, s25, s20, $0xb8;
	[tilespmem:$0x1E080] =	vst v63  }
0x121: {  	_ =	swait.ge [sflag:s17], $0x2800  }
0x122: {  	[sflag:s17] =	ssyncset.done $0x0  }
0x123: {  	s3 =	sadd.s32 $0x2820, s30;
	[sflag:s17] =	ssyncadd.s32 $0xFFFFD800  }
0x124: {  	[tilespmem:s21], [sflag:$0x1] =	stream.indirect.gather [hbm4b:s5+s20], $0x80, s3, s20, $0xb8;
	[tilespmem:$0x1E080] =	vst v63  }
0x125: {  	v60 =	vld [tilespmem:s30+$0x50];
	_ =	sdelay $0x4  }
0x126: {  	[tilespmem:$0x5780] =	vst v60  }
0x127: {  	v0 =	vld [tilespmem:s30+$0x60];
	_ =	sdelay $0x4  }
0x128: {  	[tilespmem:$0x5790] =	vst v0  }
0x129: {  	v0 =	vld [tilespmem:s30+$0x70];
	_ =	sdelay $0x4  }
0x12a: {  	s8 =	sand.u32 $0x3FC0, s31;
	[tilespmem:$0x57A0] =	vst v0  }
0x12b: {  	v0 =	vld [tilespmem:s8+$0x80];
	_ =	sdelay $0x4  }
0x12c: {  	[tilespmem:$0x57B0] =	vst v0  }
0x12d: {  	v0 =	vld [tilespmem:s30+$0x90];
	_ =	sdelay $0x4  }
0x12e: {  	[tilespmem:$0x57C0] =	vst v0  }
0x12f: {  	_ =	swait.ge [sflag:s26], $0x2800  }
0x130: {  	[sflag:s26] =	ssyncset.done $0x0  }
0x131: {  	[sflag:s26] =	ssyncadd.s32 $0xFFFFD800  }
0x132: {  	[spmem:s2] =	stream.indirect.scatter.add.f32 [tilespmem:s23], [sflag:$0x4], $0x80, s28, s20, $0xb8;
	[tilespmem:$0x1E080] =	vst v63  }
0x133: {  	_ =	swait.ge [sflag:s17], $0x2800  }
0x134: {  	[sflag:s17] =	ssyncset.done $0x0  }
0x135: {  	s3 =	sadd.s32 $0x2870, s30;
	[sflag:s17] =	ssyncadd.s32 $0xFFFFD800  }
0x136: {  	[tilespmem:s23], [sflag:$0x2] =	stream.indirect.gather [hbm4b:s5+s20], $0x80, s3, s20, $0xb8;
	[tilespmem:$0x1E080] =	vst v63  }
0x137: {  	v61 =	vld [tilespmem:s30+$0xA0];
	_ =	sdelay $0x4  }
0x138: {  	[tilespmem:$0x5700] =	vst v61  }
0x139: {  	v0 =	vld [tilespmem:s30+$0xB0];
	_ =	sdelay $0x4  }
0x13a: {  	[tilespmem:$0x5710] =	vst v0  }
0x13b: {  	v0 =	vld [tilespmem:s30+$0xC0];
	_ =	sdelay $0x4  }
0x13c: {  	[tilespmem:$0x5720] =	vst v0  }
0x13d: {  	v0 =	vld [tilespmem:s30+$0xD0];
	_ =	sdelay $0x4  }
0x13e: {  	[tilespmem:$0x5730] =	vst v0  }
0x13f: {  	v0 =	vld [tilespmem:s30+$0xE0];
	_ =	sdelay $0x4  }
0x140: {  	[tilespmem:$0x5740] =	vst v0  }
0x141: {  	_ =	swait.ge [sflag:s24], $0x2800  }
0x142: {  	[sflag:s24] =	ssyncset.done $0x0  }
0x143: {  	[sflag:s24] =	ssyncadd.s32 $0xFFFFD800  }
0x144: {  	[spmem:s2] =	stream.indirect.scatter.add.f32 [tilespmem:s21], [sflag:$0x4], $0x80, s25, s20, $0xb8;
	[tilespmem:$0x1E080] =	vst v63  }
0x145: {  	_ =	swait.ge [sflag:s17], $0x2800  }
0x146: {  	[sflag:s17] =	ssyncset.done $0x0  }
0x147: {  	s18 =	sadd.s32 $0x28C0, s30;
	[sflag:s17] =	ssyncadd.s32 $0xFFFFD800  }
0x148: {  	[tilespmem:s21], [sflag:$0x1] =	stream.indirect.gather [hbm4b:s5+s20], $0x80, s18, s20, $0xb8;
	[tilespmem:$0x1E080] =	vst v63  }
0x149: {  	v62 =	vld [tilespmem:s30+$0xF0];
	_ =	sdelay $0x4  }
0x14a: {  	[tilespmem:$0x5780] =	vst v62  }
0x14b: {  	v0 =	vld [tilespmem:s8+$0x100];
	_ =	sdelay $0x4  }
0x14c: {  	[tilespmem:$0x5790] =	vst v0  }
0x14d: {  	v0 =	vld [tilespmem:s30+$0x110];
	_ =	sdelay $0x4  }
0x14e: {  	[tilespmem:$0x57A0] =	vst v0  }
0x14f: {  	v0 =	vld [tilespmem:s30+$0x120];
	_ =	sdelay $0x4  }
0x150: {  	[tilespmem:$0x57B0] =	vst v0  }
0x151: {  	v0 =	vld [tilespmem:s30+$0x130];
	_ =	sdelay $0x4  }
0x152: {  	[tilespmem:$0x57C0] =	vst v0  }
0x153: {  	_ =	swait.ge [sflag:s26], $0x2800  }
0x154: {  	[sflag:s26] =	ssyncset.done $0x0  }
0x155: {  	[sflag:s26] =	ssyncadd.s32 $0xFFFFD800  }
0x156: {  	[spmem:s2] =	stream.indirect.scatter.add.f32 [tilespmem:s23], [sflag:$0x4], $0x80, s28, s20, $0xb8;
	[tilespmem:$0x1E080] =	vst v63  }
0x157: {  	_ =	swait.ge [sflag:s17], $0x2800  }
0x158: {  	[sflag:s17] =	ssyncset.done $0x0  }
0x159: {  	[sflag:s17] =	ssyncadd.s32 $0xFFFFD800  }
0x15a: {  	v63 =	vld [tilespmem:$0x26C0]  }
0x15b: {  	v1 =	vld [tilespmem:$0x26D0]  }
0x15c: {  	v2 =	vld [tilespmem:$0x26E0]  }
0x15d: {  	v3 =	vld [tilespmem:$0x26F0]  }
0x15e: {  	v4 =	vld [tilespmem:$0x2700]  }
0x15f: {  	[tilespmem:$0x5700] =	vst v63  }
0x160: {  	[tilespmem:$0x5710] =	vst v1  }
0x161: {  	[tilespmem:$0x5720] =	vst v2  }
0x162: {  	[tilespmem:$0x5730] =	vst v3  }
0x163: {  	[tilespmem:$0x5740] =	vst v4  }
0x164: {  	_ =	swait.ge [sflag:s24], $0x2800  }
0x165: {  	[sflag:s24] =	ssyncset.done $0x0  }
0x166: {  	[sflag:s24] =	ssyncadd.s32 $0xFFFFD800  }
0x167: {  	[spmem:s2] =	stream.indirect.scatter.add.f32 [tilespmem:s21], [sflag:$0x4], $0x80, s25, s20, $0xb8;
	[tilespmem:$0x1E080] =	vst v63  }
0x168: {  	_ =	swait.ge [sflag:s17], $0x2800  }
0x169: {  	[sflag:s17] =	ssyncset.done $0x0  }
0x16a: {  	[sflag:s17] =	ssyncadd.s32 $0xFFFFD800  }
0x16b: {  	s31 =	sadd.s32 s6, s13;
	s3 =	sor.u32 $0x1C04, s7;
	[bflag:$0x0] =	sbarrier.arrive $0xFFFF  }
0x16c: {  	[hbm:s31], [sflag:s3] =	dma.local [spmem:s15], $0x2700  }
0x16d: {  	_ =	swait.ge [sflag:s17], $0x2700  }
0x16e: {  	s29 =	sadd.s32 $0x1, s29;
	[sflag:s17] =	ssyncset.done $0x0  }
0x16f: {  	s1 =	sadd.s32 @!p0 $0x27000, s13;
	p1 =	sne.s32 s29, s14;
	[sflag:s17] =	ssyncadd.s32 $0xFFFFD900  }
0x170: {  	[hbm:s1], [sflag:s3] =	dma.local @!p0 [spmem:s16], $0x100  }
.Ltmp3:
0x171: {  	_ = 	snop;
	(pc) =	sbr.rel @p1 .LBB2_1-.Ltmp3, $4  }
0x172: {  	s1 =	simm.s32 @!p0 $0x4  }
0x173: {  	_ =	swait.ge @!p0 [sflag:s1], $0x100  }
0x174: {  	[sflag:s1] =	ssyncset.done @!p0 $0x0  }
0x175: {  	s18 =	simm.s32 $0x2780;
	[sflag:s1] =	ssyncadd.s32 @!p0 $0xFFFFFF00  }
0x176: {  	_ =	sfence.sel $0x180000  }
0x177: {  	[bflag:$0x0] =	sbarrier.arrive $0xFFFF  }
0x178: {  	_ =	strace $0x90000047  }
0x179: {  	[bflag:$0x2] =	sbarrier.arrive $0xFFFF  }
0x17a: {  	s0 =	rddreg [dreg:$0x4]  }
0x17b: {  	s0 =	sadd.s32 @!p0 $0x100000, s0  }
0x17c: {  	[sflag:s0] =	ssyncadd.tile.s32 @!p0 $0x1;
	_ =	shalt  }
.Lfunc_end2:
_tile_overlayer_lowered:
.L_overlay_start_2:
0x17d: {  	(tag) =	ssettag $0x2  }
0x17e: {  	s0 =	rddreg [dreg:$0x0];
	s2 =	stileid.u32  }
0x17f: {  	s1 =	rddreg [dreg:$0x1];
	p0 =	sne.s32 s2, $0x0  }
0x180: {  	s3 =	rddreg [dreg:$0x2];
	[bflag:$0x3] =	sbarrier.arrive $0xFFFF;
	s2 =	simm.s32 @!p0 $0x1C04  }
0x181: {  	[timem:s3], [sflag:s2] =	dma.local @!p0 [hbm:s0], s1  }
0x182: {  	s0 =	simm.s32 @!p0 $0x4  }
0x183: {  	_ =	swait.ge @!p0 [sflag:s0], s1  }
0x184: {  	s1 =	ssub.s32 @!p0 $0x0, s1;
	[sflag:s0] =	ssyncset.done @!p0 $0x0  }
0x185: {  	[sflag:s0] =	ssyncadd.s32 @!p0 s1  }
0x186: {  	[bflag:$0x3] =	sbarrier.arrive $0xFFFF  }
0x187: {  	_ =	shalt  }

</sc_bundles>
